<compile_context>
chip_gen: v7x
topology: tpu7x:2x2x1
jax: 0.10.2.dev20260603
libtpu: 0.0.44.dev20260713+nightly
codegen_flags: <defaults>
</compile_context>

<pallas_src>
import functools

import jax
import jax.numpy as jnp
from jax import lax
from jax.experimental import pallas as pl
from jax.experimental.pallas import tpu as pltpu
from jax.experimental.pallas import tpu_sc as plsc

N_NODES = 100000
N_EDGES = 3200000
NC = 2
NS = 16
NW = NC * NS
PER_TILE = N_EDGES // NW
C = 2000
NCHUNK = PER_TILE // C
G = C // 16

_MAGIC = 0x5F3759DF


def _rsqrt(x):
    i = lax.bitcast_convert_type(x, jnp.int32)
    y = lax.bitcast_convert_type(
        jnp.int32(_MAGIC) - lax.shift_right_arithmetic(i, 1), jnp.float32)
    half_x = x * jnp.float32(0.5)
    for _ in range(3):
        y = y * (jnp.float32(1.5) - half_x * y * y)
    return y


def _edge_kernel(table_hbm, ei_hbm, out_hbm, idx2, idxw, rows, out_v, sem_g):
    wid = lax.axis_index("s") * NC + lax.axis_index("c")
    base0 = wid * PER_TILE

    iota = lax.iota(jnp.int32, 16)

    def chunk(g, _):
        base = base0 + g * C
        pltpu.sync_copy(ei_hbm.at[pl.ds(base, C)], idx2.at[pl.ds(0, C)])
        pltpu.sync_copy(ei_hbm.at[pl.ds(N_EDGES + base, C)],
                        idx2.at[pl.ds(C, C)])

        def mkidx(k, _):
            o = k * 16
            vs = idx2[pl.ds(o, 16)] * 4
            vd = idx2[pl.ds(C + o, 16)] * 4
            idxw[pl.ds(o, 16)] = vs
            idxw[pl.ds(C + o, 16)] = vs + 1
            idxw[pl.ds(2 * C + o, 16)] = vs + 2
            idxw[pl.ds(3 * C + o, 16)] = vd
            idxw[pl.ds(4 * C + o, 16)] = vd + 1
            idxw[pl.ds(5 * C + o, 16)] = vd + 2
            return ()

        lax.fori_loop(0, G, mkidx, (), unroll=2)
        pltpu.async_copy(table_hbm.at[idxw], rows, sem_g).wait()

        def group(k, _):
            o = k * 16
            dx = rows[pl.ds(o, 16)] - rows[pl.ds(3 * C + o, 16)]
            dy = rows[pl.ds(C + o, 16)] - rows[pl.ds(4 * C + o, 16)]
            dz = rows[pl.ds(2 * C + o, 16)] - rows[pl.ds(5 * C + o, 16)]
            d2 = dx * dx + dy * dy + dz * dz
            dist = d2 * _rsqrt(d2)
            ob = iota * 4 + k * 64
            plsc.store_scatter(out_v, [ob], dx)
            plsc.store_scatter(out_v, [ob + 1], dy)
            plsc.store_scatter(out_v, [ob + 2], dz)
            plsc.store_scatter(out_v, [ob + 3], dist)
            return ()

        lax.fori_loop(0, G, group, (), unroll=2)
        pltpu.sync_copy(out_v, out_hbm.at[pl.ds(base * 4, C * 4)])
        return ()

    lax.fori_loop(0, NCHUNK, chunk, ())


def _run(table_flat, ei_flat):
    mesh = plsc.VectorSubcoreMesh(core_axis_name="c", subcore_axis_name="s")
    f = functools.partial(
        pl.kernel,
        mesh=mesh,
        out_type=jax.ShapeDtypeStruct((N_EDGES * 4,), jnp.float32),
        scratch_types=[
            pltpu.VMEM((2 * C,), jnp.int32),
            pltpu.VMEM((6 * C,), jnp.int32),
            pltpu.VMEM((6 * C,), jnp.float32),
            pltpu.VMEM((4 * C,), jnp.float32),
            pltpu.SemaphoreType.DMA,
        ],
        compiler_params=pltpu.CompilerParams(needs_layout_passes=False),
    )(_edge_kernel)
    return f(table_flat, ei_flat)


def kernel(position, edge_index):
    pos_last = position[:, -1, :]
    table_flat = jnp.pad(pos_last, ((0, 0), (0, 1))).reshape(-1)
    ei_flat = edge_index.reshape(-1)
    edge_attr = _run(table_flat, ei_flat).reshape(N_EDGES, 4)
    node_attr_flat = position.reshape(position.shape[0], -1)
    return (node_attr_flat, edge_index, edge_attr)

# --- scband reference (transcript-rebuilt; emitter-appended) ---
"""Pipeline reference for scband-pre-processor-57397942944067 (READ-ONLY COPY).

The authoritative reference and input builder live on the scoring server;
editing this copy changes nothing except your own understanding.
"""

import jax, jax.numpy as jnp
import numpy as np


def setup_inputs(seed: int = 0) -> dict:
    key = jax.random.key(seed)
    k1, k2 = jax.random.split(key)
    position = jax.random.normal(k1, (100000, 6, 3), dtype=jnp.float32)
    edge_index = jax.random.randint(k2, (2, 3200000), 0, 100000, dtype=jnp.int64)
    return {"position": position, "edge_index": edge_index}


def reference(position, edge_index):
    # node_attr[edge_index[0], -1]: gather rows then take last time step -> [E, 3]
    src_last = position[edge_index[0], -1]
    dst_last = position[edge_index[1], -1]
    relative_displacement = src_last - dst_last
    relative_distance = jnp.linalg.norm(relative_displacement, axis=1, keepdims=True)
    edge_attr = jnp.concatenate([relative_displacement, relative_distance], axis=1)
    node_attr_flat = position.reshape(position.shape[0], -1)
    return (node_attr_flat, edge_index, edge_attr)

if __name__ == "__main__":
    import jax
    _d = setup_inputs()
    print(jax.jit(kernel)(*tuple(_d.values())))

</pallas_src>

<mosaic_0001>
#map = affine_map<(d0, d1) -> (0)>
module attributes {stable_mosaic.version = 14 : i64} {
  func.func @_edge_kernel(%arg0: i32, %arg1: i32, %arg2: memref<400000xf32, #tpu.memory_space<hbm>>, %arg3: memref<6400000xi32, #tpu.memory_space<hbm>>, %arg4: memref<12800000xf32, #tpu.memory_space<hbm>>, %arg5: memref<4000xi32, #tpu.memory_space<vmem>>, %arg6: memref<12000xi32, #tpu.memory_space<vmem>>, %arg7: memref<12000xf32, #tpu.memory_space<vmem>>, %arg8: memref<8000xf32, #tpu.memory_space<vmem>>, %arg9: memref<!tpu.dma_semaphore, #tpu.memory_space<semaphore_mem>>) attributes {dimension_semantics = [#tpu.dimension_semantics<core_parallel>, #tpu.dimension_semantics<subcore_parallel>], iteration_bounds = array<i64: 2, 16>, scalar_prefetch = 0 : i64, scratch_operands = 5 : i64, tpu.core_type = #tpu.core_type<sc_vector_subcore>, window_params = [{transform_indices = #map}, {transform_indices = #map}, {transform_indices = #map}]} {
    %mul3A = arith.constant 2 : i32
    %mul3A_0 = arith.muli %arg1, %mul3A : i32
    %add3A = arith.addi %mul3A_0, %arg0 : i32
    %mul3A_1 = arith.constant 100000 : i32
    %mul3A_2 = arith.muli %add3A, %mul3A_1 : i32
    %iota3A = tpu.iota {dimensions = array<i32: 0>} : vector<16xi32>
    %scan3A = arith.constant 0 : i32
    %scan3A_3 = arith.constant 50 : i32
    %scan3A_4 = arith.addi %scan3A, %scan3A_3 : i32
    %scan3A_5 = arith.constant 1 : i32
    scf.for %scan3A_7 = %scan3A to %scan3A_4 step %scan3A_5  : i32 {
      %mul3A_8 = arith.constant 2000 : i32
      %mul3A_9 = arith.muli %scan3A_7, %mul3A_8 : i32
      %add3A_10 = arith.addi %mul3A_2, %mul3A_9 : i32
      "tpu.region"() ({
        %run_scoped3A = tpu.sem_alloc : memref<!tpu.dma_semaphore, #tpu.memory_space<semaphore_mem>>
        %dma_start3A_152 = arith.constant 0 : i32
        %dma_start3A_153 = tpu.memref_slice %arg5[%dma_start3A_152] : memref<4000xi32, #tpu.memory_space<vmem>> -> memref<2000xi32, #tpu.memory_space<vmem>>
        %dma_start3A_154 = tpu.memref_slice %arg3[%add3A_10] : memref<6400000xi32, #tpu.memory_space<hbm>> -> memref<2000xi32, #tpu.memory_space<hbm>>
        %dma_start3A_155 = arith.constant 0 : i32
        %dma_start3A_156 = tpu.memref_slice %arg5[%dma_start3A_155] : memref<4000xi32, #tpu.memory_space<vmem>> -> memref<2000xi32, #tpu.memory_space<vmem>>
        %dma_start3A_157 = tpu.memref_slice %arg3[%add3A_10] : memref<6400000xi32, #tpu.memory_space<hbm>> -> memref<2000xi32, #tpu.memory_space<hbm>>
        tpu.enqueue_dma source(%dma_start3A_157 : memref<2000xi32, #tpu.memory_space<hbm>>) target(%dma_start3A_156 : memref<2000xi32, #tpu.memory_space<vmem>>) target_semaphore(%run_scoped3A : memref<!tpu.dma_semaphore, #tpu.memory_space<semaphore_mem>>)
        %dma_wait3A_158 = arith.constant 0 : i32
        %dma_wait3A_159 = tpu.memref_slice %arg5[%dma_wait3A_158] : memref<4000xi32, #tpu.memory_space<vmem>> -> memref<2000xi32, #tpu.memory_space<vmem>>
        %dma_wait3A_160 = tpu.memref_slice %arg3[%add3A_10] : memref<6400000xi32, #tpu.memory_space<hbm>> -> memref<2000xi32, #tpu.memory_space<hbm>>
        %dma_wait3A_161 = arith.constant 0 : i32
        %dma_wait3A_162 = tpu.memref_slice %arg5[%dma_wait3A_161] : memref<4000xi32, #tpu.memory_space<vmem>> -> memref<2000xi32, #tpu.memory_space<vmem>>
        %dma_wait3A_163 = tpu.memref_slice %arg3[%add3A_10] : memref<6400000xi32, #tpu.memory_space<hbm>> -> memref<2000xi32, #tpu.memory_space<hbm>>
        tpu.wait_dma2 semaphore(%run_scoped3A : memref<!tpu.dma_semaphore, #tpu.memory_space<semaphore_mem>>) src(%dma_wait3A_163 : memref<2000xi32, #tpu.memory_space<hbm>>) dst(%dma_wait3A_162 : memref<2000xi32, #tpu.memory_space<vmem>>)
        tpu.yield
      }) : () -> ()
      %add3A_11 = arith.constant 3200000 : i32
      %add3A_12 = arith.addi %add3A_11, %add3A_10 : i32
      "tpu.region"() ({
        %run_scoped3A = tpu.sem_alloc : memref<!tpu.dma_semaphore, #tpu.memory_space<semaphore_mem>>
        %dma_start3A_152 = arith.constant 2000 : i32
        %dma_start3A_153 = tpu.memref_slice %arg5[%dma_start3A_152] : memref<4000xi32, #tpu.memory_space<vmem>> -> memref<2000xi32, #tpu.memory_space<vmem>>
        %dma_start3A_154 = tpu.memref_slice %arg3[%add3A_12] : memref<6400000xi32, #tpu.memory_space<hbm>> -> memref<2000xi32, #tpu.memory_space<hbm>>
        %dma_start3A_155 = arith.constant 2000 : i32
        %dma_start3A_156 = tpu.memref_slice %arg5[%dma_start3A_155] : memref<4000xi32, #tpu.memory_space<vmem>> -> memref<2000xi32, #tpu.memory_space<vmem>>
        %dma_start3A_157 = tpu.memref_slice %arg3[%add3A_12] : memref<6400000xi32, #tpu.memory_space<hbm>> -> memref<2000xi32, #tpu.memory_space<hbm>>
        tpu.enqueue_dma source(%dma_start3A_157 : memref<2000xi32, #tpu.memory_space<hbm>>) target(%dma_start3A_156 : memref<2000xi32, #tpu.memory_space<vmem>>) target_semaphore(%run_scoped3A : memref<!tpu.dma_semaphore, #tpu.memory_space<semaphore_mem>>)
        %dma_wait3A_158 = arith.constant 2000 : i32
        %dma_wait3A_159 = tpu.memref_slice %arg5[%dma_wait3A_158] : memref<4000xi32, #tpu.memory_space<vmem>> -> memref<2000xi32, #tpu.memory_space<vmem>>
        %dma_wait3A_160 = tpu.memref_slice %arg3[%add3A_12] : memref<6400000xi32, #tpu.memory_space<hbm>> -> memref<2000xi32, #tpu.memory_space<hbm>>
        %dma_wait3A_161 = arith.constant 2000 : i32
        %dma_wait3A_162 = tpu.memref_slice %arg5[%dma_wait3A_161] : memref<4000xi32, #tpu.memory_space<vmem>> -> memref<2000xi32, #tpu.memory_space<vmem>>
        %dma_wait3A_163 = tpu.memref_slice %arg3[%add3A_12] : memref<6400000xi32, #tpu.memory_space<hbm>> -> memref<2000xi32, #tpu.memory_space<hbm>>
        tpu.wait_dma2 semaphore(%run_scoped3A : memref<!tpu.dma_semaphore, #tpu.memory_space<semaphore_mem>>) src(%dma_wait3A_163 : memref<2000xi32, #tpu.memory_space<hbm>>) dst(%dma_wait3A_162 : memref<2000xi32, #tpu.memory_space<vmem>>)
        tpu.yield
      }) : () -> ()
      %scan3A_13 = arith.constant 0 : i32
      %scan3A_14 = arith.constant 124 : i32
      %scan3A_15 = arith.addi %scan3A_13, %scan3A_14 : i32
      %scan3A_16 = arith.constant 2 : i32
      scf.for %scan3A_152 = %scan3A_13 to %scan3A_15 step %scan3A_16  : i32 {
        %mul3A_153 = arith.constant 16 : i32
        %mul3A_154 = arith.muli %scan3A_152, %mul3A_153 : i32
        %get3A_155 = arith.index_cast %mul3A_154 : i32 to index
        %get3A_156 = tpu.vector_load %arg5[%get3A_155] {strides = array<i32>} : memref<4000xi32, #tpu.memory_space<vmem>>, vector<16xi32>,
        %mul3A_157 = arith.constant 4 : i32
        %mul3A_158 = vector.broadcast %mul3A_157 : i32 to vector<16xi32>
        %mul3A_159 = arith.muli %get3A_156, %mul3A_158 : vector<16xi32>
        %add3A_160 = arith.constant 2000 : i32
        %add3A_161 = arith.addi %add3A_160, %mul3A_154 : i32
        %get3A_162 = arith.index_cast %add3A_161 : i32 to index
        %get3A_163 = tpu.vector_load %arg5[%get3A_162] {strides = array<i32>} : memref<4000xi32, #tpu.memory_space<vmem>>, vector<16xi32>,
        %mul3A_164 = arith.constant 4 : i32
        %mul3A_165 = vector.broadcast %mul3A_164 : i32 to vector<16xi32>
        %mul3A_166 = arith.muli %get3A_163, %mul3A_165 : vector<16xi32>
        %swap3A_167 = arith.index_cast %mul3A_154 : i32 to index
        %swap3A_168 = tpu.vector_load %arg6[%swap3A_167] {strides = array<i32>} : memref<12000xi32, #tpu.memory_space<vmem>>, vector<16xi32>,
        tpu.vector_store %arg6[%swap3A_167], %mul3A_159 {strides = array<i32>} : memref<12000xi32, #tpu.memory_space<vmem>>, vector<16xi32>,
        %add3A_169 = arith.constant 1 : i32
        %add3A_170 = vector.broadcast %add3A_169 : i32 to vector<16xi32>
        %add3A_171 = arith.addi %mul3A_159, %add3A_170 : vector<16xi32>
        %add3A_172 = arith.constant 2000 : i32
        %add3A_173 = arith.addi %add3A_172, %mul3A_154 : i32
        %swap3A_174 = arith.index_cast %add3A_173 : i32 to index
        %swap3A_175 = tpu.vector_load %arg6[%swap3A_174] {strides = array<i32>} : memref<12000xi32, #tpu.memory_space<vmem>>, vector<16xi32>,
        tpu.vector_store %arg6[%swap3A_174], %add3A_171 {strides = array<i32>} : memref<12000xi32, #tpu.memory_space<vmem>>, vector<16xi32>,
        %add3A_176 = arith.constant 2 : i32
        %add3A_177 = vector.broadcast %add3A_176 : i32 to vector<16xi32>
        %add3A_178 = arith.addi %mul3A_159, %add3A_177 : vector<16xi32>
        %add3A_179 = arith.constant 4000 : i32
        %add3A_180 = arith.addi %add3A_179, %mul3A_154 : i32
        %swap3A_181 = arith.index_cast %add3A_180 : i32 to index
        %swap3A_182 = tpu.vector_load %arg6[%swap3A_181] {strides = array<i32>} : memref<12000xi32, #tpu.memory_space<vmem>>, vector<16xi32>,
        tpu.vector_store %arg6[%swap3A_181], %add3A_178 {strides = array<i32>} : memref<12000xi32, #tpu.memory_space<vmem>>, vector<16xi32>,
        %add3A_183 = arith.constant 6000 : i32
        %add3A_184 = arith.addi %add3A_183, %mul3A_154 : i32
        %swap3A_185 = arith.index_cast %add3A_184 : i32 to index
        %swap3A_186 = tpu.vector_load %arg6[%swap3A_185] {strides = array<i32>} : memref<12000xi32, #tpu.memory_space<vmem>>, vector<16xi32>,
        tpu.vector_store %arg6[%swap3A_185], %mul3A_166 {strides = array<i32>} : memref<12000xi32, #tpu.memory_space<vmem>>, vector<16xi32>,
        %add3A_187 = arith.constant 1 : i32
        %add3A_188 = vector.broadcast %add3A_187 : i32 to vector<16xi32>
        %add3A_189 = arith.addi %mul3A_166, %add3A_188 : vector<16xi32>
        %add3A_190 = arith.constant 8000 : i32
        %add3A_191 = arith.addi %add3A_190, %mul3A_154 : i32
        %swap3A_192 = arith.index_cast %add3A_191 : i32 to index
        %swap3A_193 = tpu.vector_load %arg6[%swap3A_192] {strides = array<i32>} : memref<12000xi32, #tpu.memory_space<vmem>>, vector<16xi32>,
        tpu.vector_store %arg6[%swap3A_192], %add3A_189 {strides = array<i32>} : memref<12000xi32, #tpu.memory_space<vmem>>, vector<16xi32>,
        %add3A_194 = arith.constant 2 : i32
        %add3A_195 = vector.broadcast %add3A_194 : i32 to vector<16xi32>
        %add3A_196 = arith.addi %mul3A_166, %add3A_195 : vector<16xi32>
        %add3A_197 = arith.constant 10000 : i32
        %add3A_198 = arith.addi %add3A_197, %mul3A_154 : i32
        %swap3A_199 = arith.index_cast %add3A_198 : i32 to index
        %swap3A_200 = tpu.vector_load %arg6[%swap3A_199] {strides = array<i32>} : memref<12000xi32, #tpu.memory_space<vmem>>, vector<16xi32>,
        tpu.vector_store %arg6[%swap3A_199], %add3A_196 {strides = array<i32>} : memref<12000xi32, #tpu.memory_space<vmem>>, vector<16xi32>,
        %scan3A_201 = arith.constant 1 : i32
        %scan3A_202 = arith.addi %scan3A_152, %scan3A_201 : i32
        %mul3A_203 = arith.constant 16 : i32
        %mul3A_204 = arith.muli %scan3A_202, %mul3A_203 : i32
        %get3A_205 = arith.index_cast %mul3A_204 : i32 to index
        %get3A_206 = tpu.vector_load %arg5[%get3A_205] {strides = array<i32>} : memref<4000xi32, #tpu.memory_space<vmem>>, vector<16xi32>,
        %mul3A_207 = arith.constant 4 : i32
        %mul3A_208 = vector.broadcast %mul3A_207 : i32 to vector<16xi32>
        %mul3A_209 = arith.muli %get3A_206, %mul3A_208 : vector<16xi32>
        %add3A_210 = arith.constant 2000 : i32
        %add3A_211 = arith.addi %add3A_210, %mul3A_204 : i32
        %get3A_212 = arith.index_cast %add3A_211 : i32 to index
        %get3A_213 = tpu.vector_load %arg5[%get3A_212] {strides = array<i32>} : memref<4000xi32, #tpu.memory_space<vmem>>, vector<16xi32>,
        %mul3A_214 = arith.constant 4 : i32
        %mul3A_215 = vector.broadcast %mul3A_214 : i32 to vector<16xi32>
        %mul3A_216 = arith.muli %get3A_213, %mul3A_215 : vector<16xi32>
        %swap3A_217 = arith.index_cast %mul3A_204 : i32 to index
        %swap3A_218 = tpu.vector_load %arg6[%swap3A_217] {strides = array<i32>} : memref<12000xi32, #tpu.memory_space<vmem>>, vector<16xi32>,
        tpu.vector_store %arg6[%swap3A_217], %mul3A_209 {strides = array<i32>} : memref<12000xi32, #tpu.memory_space<vmem>>, vector<16xi32>,
        %add3A_219 = arith.constant 1 : i32
        %add3A_220 = vector.broadcast %add3A_219 : i32 to vector<16xi32>
        %add3A_221 = arith.addi %mul3A_209, %add3A_220 : vector<16xi32>
        %add3A_222 = arith.constant 2000 : i32
        %add3A_223 = arith.addi %add3A_222, %mul3A_204 : i32
        %swap3A_224 = arith.index_cast %add3A_223 : i32 to index
        %swap3A_225 = tpu.vector_load %arg6[%swap3A_224] {strides = array<i32>} : memref<12000xi32, #tpu.memory_space<vmem>>, vector<16xi32>,
        tpu.vector_store %arg6[%swap3A_224], %add3A_221 {strides = array<i32>} : memref<12000xi32, #tpu.memory_space<vmem>>, vector<16xi32>,
        %add3A_226 = arith.constant 2 : i32
        %add3A_227 = vector.broadcast %add3A_226 : i32 to vector<16xi32>
        %add3A_228 = arith.addi %mul3A_209, %add3A_227 : vector<16xi32>
        %add3A_229 = arith.constant 4000 : i32
        %add3A_230 = arith.addi %add3A_229, %mul3A_204 : i32
        %swap3A_231 = arith.index_cast %add3A_230 : i32 to index
        %swap3A_232 = tpu.vector_load %arg6[%swap3A_231] {strides = array<i32>} : memref<12000xi32, #tpu.memory_space<vmem>>, vector<16xi32>,
        tpu.vector_store %arg6[%swap3A_231], %add3A_228 {strides = array<i32>} : memref<12000xi32, #tpu.memory_space<vmem>>, vector<16xi32>,
        %add3A_233 = arith.constant 6000 : i32
        %add3A_234 = arith.addi %add3A_233, %mul3A_204 : i32
        %swap3A_235 = arith.index_cast %add3A_234 : i32 to index
        %swap3A_236 = tpu.vector_load %arg6[%swap3A_235] {strides = array<i32>} : memref<12000xi32, #tpu.memory_space<vmem>>, vector<16xi32>,
        tpu.vector_store %arg6[%swap3A_235], %mul3A_216 {strides = array<i32>} : memref<12000xi32, #tpu.memory_space<vmem>>, vector<16xi32>,
        %add3A_237 = arith.constant 1 : i32
        %add3A_238 = vector.broadcast %add3A_237 : i32 to vector<16xi32>
        %add3A_239 = arith.addi %mul3A_216, %add3A_238 : vector<16xi32>
        %add3A_240 = arith.constant 8000 : i32
        %add3A_241 = arith.addi %add3A_240, %mul3A_204 : i32
        %swap3A_242 = arith.index_cast %add3A_241 : i32 to index
        %swap3A_243 = tpu.vector_load %arg6[%swap3A_242] {strides = array<i32>} : memref<12000xi32, #tpu.memory_space<vmem>>, vector<16xi32>,
        tpu.vector_store %arg6[%swap3A_242], %add3A_239 {strides = array<i32>} : memref<12000xi32, #tpu.memory_space<vmem>>, vector<16xi32>,
        %add3A_244 = arith.constant 2 : i32
        %add3A_245 = vector.broadcast %add3A_244 : i32 to vector<16xi32>
        %add3A_246 = arith.addi %mul3A_216, %add3A_245 : vector<16xi32>
        %add3A_247 = arith.constant 10000 : i32
        %add3A_248 = arith.addi %add3A_247, %mul3A_204 : i32
        %swap3A_249 = arith.index_cast %add3A_248 : i32 to index
        %swap3A_250 = tpu.vector_load %arg6[%swap3A_249] {strides = array<i32>} : memref<12000xi32, #tpu.memory_space<vmem>>, vector<16xi32>,
        tpu.vector_store %arg6[%swap3A_249], %add3A_246 {strides = array<i32>} : memref<12000xi32, #tpu.memory_space<vmem>>, vector<16xi32>,
      }
      %scan3A_17 = arith.constant 124 : i32
      %scan3A_18 = arith.addi %scan3A_13, %scan3A_17 : i32
      %mul3A_19 = arith.constant 16 : i32
      %mul3A_20 = arith.muli %scan3A_18, %mul3A_19 : i32
      %get3A = arith.index_cast %mul3A_20 : i32 to index
      %get3A_21 = tpu.vector_load %arg5[%get3A] {strides = array<i32>} : memref<4000xi32, #tpu.memory_space<vmem>>, vector<16xi32>,
      %mul3A_22 = arith.constant 4 : i32
      %mul3A_23 = vector.broadcast %mul3A_22 : i32 to vector<16xi32>
      %mul3A_24 = arith.muli %get3A_21, %mul3A_23 : vector<16xi32>
      %add3A_25 = arith.constant 2000 : i32
      %add3A_26 = arith.addi %add3A_25, %mul3A_20 : i32
      %get3A_27 = arith.index_cast %add3A_26 : i32 to index
      %get3A_28 = tpu.vector_load %arg5[%get3A_27] {strides = array<i32>} : memref<4000xi32, #tpu.memory_space<vmem>>, vector<16xi32>,
      %mul3A_29 = arith.constant 4 : i32
      %mul3A_30 = vector.broadcast %mul3A_29 : i32 to vector<16xi32>
      %mul3A_31 = arith.muli %get3A_28, %mul3A_30 : vector<16xi32>
      %swap3A = arith.index_cast %mul3A_20 : i32 to index
      %swap3A_32 = tpu.vector_load %arg6[%swap3A] {strides = array<i32>} : memref<12000xi32, #tpu.memory_space<vmem>>, vector<16xi32>,
      tpu.vector_store %arg6[%swap3A], %mul3A_24 {strides = array<i32>} : memref<12000xi32, #tpu.memory_space<vmem>>, vector<16xi32>,
      %add3A_33 = arith.constant 1 : i32
      %add3A_34 = vector.broadcast %add3A_33 : i32 to vector<16xi32>
      %add3A_35 = arith.addi %mul3A_24, %add3A_34 : vector<16xi32>
      %add3A_36 = arith.constant 2000 : i32
      %add3A_37 = arith.addi %add3A_36, %mul3A_20 : i32
      %swap3A_38 = arith.index_cast %add3A_37 : i32 to index
      %swap3A_39 = tpu.vector_load %arg6[%swap3A_38] {strides = array<i32>} : memref<12000xi32, #tpu.memory_space<vmem>>, vector<16xi32>,
      tpu.vector_store %arg6[%swap3A_38], %add3A_35 {strides = array<i32>} : memref<12000xi32, #tpu.memory_space<vmem>>, vector<16xi32>,
      %add3A_40 = arith.constant 2 : i32
      %add3A_41 = vector.broadcast %add3A_40 : i32 to vector<16xi32>
      %add3A_42 = arith.addi %mul3A_24, %add3A_41 : vector<16xi32>
      %add3A_43 = arith.constant 4000 : i32
      %add3A_44 = arith.addi %add3A_43, %mul3A_20 : i32
      %swap3A_45 = arith.index_cast %add3A_44 : i32 to index
      %swap3A_46 = tpu.vector_load %arg6[%swap3A_45] {strides = array<i32>} : memref<12000xi32, #tpu.memory_space<vmem>>, vector<16xi32>,
      tpu.vector_store %arg6[%swap3A_45], %add3A_42 {strides = array<i32>} : memref<12000xi32, #tpu.memory_space<vmem>>, vector<16xi32>,
      %add3A_47 = arith.constant 6000 : i32
      %add3A_48 = arith.addi %add3A_47, %mul3A_20 : i32
      %swap3A_49 = arith.index_cast %add3A_48 : i32 to index
      %swap3A_50 = tpu.vector_load %arg6[%swap3A_49] {strides = array<i32>} : memref<12000xi32, #tpu.memory_space<vmem>>, vector<16xi32>,
      tpu.vector_store %arg6[%swap3A_49], %mul3A_31 {strides = array<i32>} : memref<12000xi32, #tpu.memory_space<vmem>>, vector<16xi32>,
      %add3A_51 = arith.constant 1 : i32
      %add3A_52 = vector.broadcast %add3A_51 : i32 to vector<16xi32>
      %add3A_53 = arith.addi %mul3A_31, %add3A_52 : vector<16xi32>
      %add3A_54 = arith.constant 8000 : i32
      %add3A_55 = arith.addi %add3A_54, %mul3A_20 : i32
      %swap3A_56 = arith.index_cast %add3A_55 : i32 to index
      %swap3A_57 = tpu.vector_load %arg6[%swap3A_56] {strides = array<i32>} : memref<12000xi32, #tpu.memory_space<vmem>>, vector<16xi32>,
      tpu.vector_store %arg6[%swap3A_56], %add3A_53 {strides = array<i32>} : memref<12000xi32, #tpu.memory_space<vmem>>, vector<16xi32>,
      %add3A_58 = arith.constant 2 : i32
      %add3A_59 = vector.broadcast %add3A_58 : i32 to vector<16xi32>
      %add3A_60 = arith.addi %mul3A_31, %add3A_59 : vector<16xi32>
      %add3A_61 = arith.constant 10000 : i32
      %add3A_62 = arith.addi %add3A_61, %mul3A_20 : i32
      %swap3A_63 = arith.index_cast %add3A_62 : i32 to index
      %swap3A_64 = tpu.vector_load %arg6[%swap3A_63] {strides = array<i32>} : memref<12000xi32, #tpu.memory_space<vmem>>, vector<16xi32>,
      tpu.vector_store %arg6[%swap3A_63], %add3A_60 {strides = array<i32>} : memref<12000xi32, #tpu.memory_space<vmem>>, vector<16xi32>,
      %scan3A_65 = arith.constant 125 : i32
      %dma_start3A = arith.constant 0 : i32
      %dma_start3A_66 = tpu.memref_slice %arg2[%dma_start3A] : memref<400000xf32, #tpu.memory_space<hbm>> -> memref<400000xf32, #tpu.memory_space<hbm>>
      tpu.enqueue_indirect_dma source(%dma_start3A_66 : memref<400000xf32, #tpu.memory_space<hbm>>) target(%arg7 : memref<12000xf32, #tpu.memory_space<vmem>>) offsets(%arg6 : memref<12000xi32, #tpu.memory_space<vmem>>) semaphore(%arg9 : memref<!tpu.dma_semaphore, #tpu.memory_space<semaphore_mem>>)
      %dma_wait3A = arith.constant 0 : i32
      %dma_wait3A_67 = tpu.memref_slice %arg2[%dma_wait3A] : memref<400000xf32, #tpu.memory_space<hbm>> -> memref<400000xf32, #tpu.memory_space<hbm>>
      tpu.wait_indirect_dma semaphore(%arg9 : memref<!tpu.dma_semaphore, #tpu.memory_space<semaphore_mem>>) src(%dma_wait3A_67 : memref<400000xf32, #tpu.memory_space<hbm>>) dst(%arg7 : memref<12000xf32, #tpu.memory_space<vmem>>)
      %scan3A_68 = arith.constant 0 : i32
      %scan3A_69 = arith.constant 124 : i32
      %scan3A_70 = arith.addi %scan3A_68, %scan3A_69 : i32
      %scan3A_71 = arith.constant 2 : i32
      scf.for %scan3A_152 = %scan3A_68 to %scan3A_70 step %scan3A_71  : i32 {
        %mul3A_153 = arith.constant 16 : i32
        %mul3A_154 = arith.muli %scan3A_152, %mul3A_153 : i32
        %get3A_155 = arith.index_cast %mul3A_154 : i32 to index
        %get3A_156 = tpu.vector_load %arg7[%get3A_155] {strides = array<i32>} : memref<12000xf32, #tpu.memory_space<vmem>>, vector<16xf32>,
        %add3A_157 = arith.constant 6000 : i32
        %add3A_158 = arith.addi %add3A_157, %mul3A_154 : i32
        %get3A_159 = arith.index_cast %add3A_158 : i32 to index
        %get3A_160 = tpu.vector_load %arg7[%get3A_159] {strides = array<i32>} : memref<12000xf32, #tpu.memory_space<vmem>>, vector<16xf32>,
        %sub3A_161 = arith.subf %get3A_156, %get3A_160 : vector<16xf32>
        %add3A_162 = arith.constant 2000 : i32
        %add3A_163 = arith.addi %add3A_162, %mul3A_154 : i32
        %get3A_164 = arith.index_cast %add3A_163 : i32 to index
        %get3A_165 = tpu.vector_load %arg7[%get3A_164] {strides = array<i32>} : memref<12000xf32, #tpu.memory_space<vmem>>, vector<16xf32>,
        %add3A_166 = arith.constant 8000 : i32
        %add3A_167 = arith.addi %add3A_166, %mul3A_154 : i32
        %get3A_168 = arith.index_cast %add3A_167 : i32 to index
        %get3A_169 = tpu.vector_load %arg7[%get3A_168] {strides = array<i32>} : memref<12000xf32, #tpu.memory_space<vmem>>, vector<16xf32>,
        %sub3A_170 = arith.subf %get3A_165, %get3A_169 : vector<16xf32>
        %add3A_171 = arith.constant 4000 : i32
        %add3A_172 = arith.addi %add3A_171, %mul3A_154 : i32
        %get3A_173 = arith.index_cast %add3A_172 : i32 to index
        %get3A_174 = tpu.vector_load %arg7[%get3A_173] {strides = array<i32>} : memref<12000xf32, #tpu.memory_space<vmem>>, vector<16xf32>,
        %add3A_175 = arith.constant 10000 : i32
        %add3A_176 = arith.addi %add3A_175, %mul3A_154 : i32
        %get3A_177 = arith.index_cast %add3A_176 : i32 to index
        %get3A_178 = tpu.vector_load %arg7[%get3A_177] {strides = array<i32>} : memref<12000xf32, #tpu.memory_space<vmem>>, vector<16xf32>,
        %sub3A_179 = arith.subf %get3A_174, %get3A_178 : vector<16xf32>
        %mul3A_180 = arith.mulf %sub3A_161, %sub3A_161 : vector<16xf32>
        %mul3A_181 = arith.mulf %sub3A_170, %sub3A_170 : vector<16xf32>
        %add3A_182 = arith.addf %mul3A_180, %mul3A_181 : vector<16xf32>
        %mul3A_183 = arith.mulf %sub3A_179, %sub3A_179 : vector<16xf32>
        %add3A_184 = arith.addf %add3A_182, %mul3A_183 : vector<16xf32>
        %bitcast_convert_type3A_185 = tpu.bitcast %add3A_184 : vector<16xf32> -> vector<16xi32>
        %shift_right_arithmetic3A_186 = arith.constant 1 : i32
        %shift_right_arithmetic3A_187 = vector.broadcast %shift_right_arithmetic3A_186 : i32 to vector<16xi32>
        %shift_right_arithmetic3A_188 = arith.shrsi %bitcast_convert_type3A_185, %shift_right_arithmetic3A_187 : vector<16xi32>
        %sub3A_189 = arith.constant 1597463007 : i32
        %sub3A_190 = vector.broadcast %sub3A_189 : i32 to vector<16xi32>
        %sub3A_191 = arith.subi %sub3A_190, %shift_right_arithmetic3A_188 : vector<16xi32>
        %bitcast_convert_type3A_192 = tpu.bitcast %sub3A_191 : vector<16xi32> -> vector<16xf32>
        %mul3A_193 = arith.constant 5.000000e-01 : f32
        %mul3A_194 = vector.broadcast %mul3A_193 : f32 to vector<16xf32>
        %mul3A_195 = arith.mulf %add3A_184, %mul3A_194 : vector<16xf32>
        %mul3A_196 = arith.mulf %mul3A_195, %bitcast_convert_type3A_192 : vector<16xf32>
        %mul3A_197 = arith.mulf %mul3A_196, %bitcast_convert_type3A_192 : vector<16xf32>
        %sub3A_198 = arith.constant 1.500000e+00 : f32
        %sub3A_199 = vector.broadcast %sub3A_198 : f32 to vector<16xf32>
        %sub3A_200 = arith.subf %sub3A_199, %mul3A_197 : vector<16xf32>
        %mul3A_201 = arith.mulf %bitcast_convert_type3A_192, %sub3A_200 : vector<16xf32>
        %mul3A_202 = arith.mulf %mul3A_195, %mul3A_201 : vector<16xf32>
        %mul3A_203 = arith.mulf %mul3A_202, %mul3A_201 : vector<16xf32>
        %sub3A_204 = arith.constant 1.500000e+00 : f32
        %sub3A_205 = vector.broadcast %sub3A_204 : f32 to vector<16xf32>
        %sub3A_206 = arith.subf %sub3A_205, %mul3A_203 : vector<16xf32>
        %mul3A_207 = arith.mulf %mul3A_201, %sub3A_206 : vector<16xf32>
        %mul3A_208 = arith.mulf %mul3A_195, %mul3A_207 : vector<16xf32>
        %mul3A_209 = arith.mulf %mul3A_208, %mul3A_207 : vector<16xf32>
        %sub3A_210 = arith.constant 1.500000e+00 : f32
        %sub3A_211 = vector.broadcast %sub3A_210 : f32 to vector<16xf32>
        %sub3A_212 = arith.subf %sub3A_211, %mul3A_209 : vector<16xf32>
        %mul3A_213 = arith.mulf %mul3A_207, %sub3A_212 : vector<16xf32>
        %mul3A_214 = arith.mulf %add3A_184, %mul3A_213 : vector<16xf32>
        %mul3A_215 = arith.constant 4 : i32
        %mul3A_216 = vector.broadcast %mul3A_215 : i32 to vector<16xi32>
        %mul3A_217 = arith.muli %iota3A, %mul3A_216 : vector<16xi32>
        %mul3A_218 = arith.constant 64 : i32
        %mul3A_219 = arith.muli %scan3A_152, %mul3A_218 : i32
        %add3A_220 = vector.broadcast %mul3A_219 : i32 to vector<16xi32>
        %add3A_221 = arith.addi %mul3A_217, %add3A_220 : vector<16xi32>
        tpu.vector_store_idx %arg8[%add3A_221], %sub3A_161 : memref<8000xf32, #tpu.memory_space<vmem>>[vector<16xi32>], vector<16xf32>,
        %add3A_222 = arith.constant 1 : i32
        %add3A_223 = vector.broadcast %add3A_222 : i32 to vector<16xi32>
        %add3A_224 = arith.addi %add3A_221, %add3A_223 : vector<16xi32>
        tpu.vector_store_idx %arg8[%add3A_224], %sub3A_170 : memref<8000xf32, #tpu.memory_space<vmem>>[vector<16xi32>], vector<16xf32>,
        %add3A_225 = arith.constant 2 : i32
        %add3A_226 = vector.broadcast %add3A_225 : i32 to vector<16xi32>
        %add3A_227 = arith.addi %add3A_221, %add3A_226 : vector<16xi32>
        tpu.vector_store_idx %arg8[%add3A_227], %sub3A_179 : memref<8000xf32, #tpu.memory_space<vmem>>[vector<16xi32>], vector<16xf32>,
        %add3A_228 = arith.constant 3 : i32
        %add3A_229 = vector.broadcast %add3A_228 : i32 to vector<16xi32>
        %add3A_230 = arith.addi %add3A_221, %add3A_229 : vector<16xi32>
        tpu.vector_store_idx %arg8[%add3A_230], %mul3A_214 : memref<8000xf32, #tpu.memory_space<vmem>>[vector<16xi32>], vector<16xf32>,
        %scan3A_231 = arith.constant 1 : i32
        %scan3A_232 = arith.addi %scan3A_152, %scan3A_231 : i32
        %mul3A_233 = arith.constant 16 : i32
        %mul3A_234 = arith.muli %scan3A_232, %mul3A_233 : i32
        %get3A_235 = arith.index_cast %mul3A_234 : i32 to index
        %get3A_236 = tpu.vector_load %arg7[%get3A_235] {strides = array<i32>} : memref<12000xf32, #tpu.memory_space<vmem>>, vector<16xf32>,
        %add3A_237 = arith.constant 6000 : i32
        %add3A_238 = arith.addi %add3A_237, %mul3A_234 : i32
        %get3A_239 = arith.index_cast %add3A_238 : i32 to index
        %get3A_240 = tpu.vector_load %arg7[%get3A_239] {strides = array<i32>} : memref<12000xf32, #tpu.memory_space<vmem>>, vector<16xf32>,
        %sub3A_241 = arith.subf %get3A_236, %get3A_240 : vector<16xf32>
        %add3A_242 = arith.constant 2000 : i32
        %add3A_243 = arith.addi %add3A_242, %mul3A_234 : i32
        %get3A_244 = arith.index_cast %add3A_243 : i32 to index
        %get3A_245 = tpu.vector_load %arg7[%get3A_244] {strides = array<i32>} : memref<12000xf32, #tpu.memory_space<vmem>>, vector<16xf32>,
        %add3A_246 = arith.constant 8000 : i32
        %add3A_247 = arith.addi %add3A_246, %mul3A_234 : i32
        %get3A_248 = arith.index_cast %add3A_247 : i32 to index
        %get3A_249 = tpu.vector_load %arg7[%get3A_248] {strides = array<i32>} : memref<12000xf32, #tpu.memory_space<vmem>>, vector<16xf32>,
        %sub3A_250 = arith.subf %get3A_245, %get3A_249 : vector<16xf32>
        %add3A_251 = arith.constant 4000 : i32
        %add3A_252 = arith.addi %add3A_251, %mul3A_234 : i32
        %get3A_253 = arith.index_cast %add3A_252 : i32 to index
        %get3A_254 = tpu.vector_load %arg7[%get3A_253] {strides = array<i32>} : memref<12000xf32, #tpu.memory_space<vmem>>, vector<16xf32>,
        %add3A_255 = arith.constant 10000 : i32
        %add3A_256 = arith.addi %add3A_255, %mul3A_234 : i32
        %get3A_257 = arith.index_cast %add3A_256 : i32 to index
        %get3A_258 = tpu.vector_load %arg7[%get3A_257] {strides = array<i32>} : memref<12000xf32, #tpu.memory_space<vmem>>, vector<16xf32>,
        %sub3A_259 = arith.subf %get3A_254, %get3A_258 : vector<16xf32>
        %mul3A_260 = arith.mulf %sub3A_241, %sub3A_241 : vector<16xf32>
        %mul3A_261 = arith.mulf %sub3A_250, %sub3A_250 : vector<16xf32>
        %add3A_262 = arith.addf %mul3A_260, %mul3A_261 : vector<16xf32>
        %mul3A_263 = arith.mulf %sub3A_259, %sub3A_259 : vector<16xf32>
        %add3A_264 = arith.addf %add3A_262, %mul3A_263 : vector<16xf32>
        %bitcast_convert_type3A_265 = tpu.bitcast %add3A_264 : vector<16xf32> -> vector<16xi32>
        %shift_right_arithmetic3A_266 = arith.constant 1 : i32
        %shift_right_arithmetic3A_267 = vector.broadcast %shift_right_arithmetic3A_266 : i32 to vector<16xi32>
        %shift_right_arithmetic3A_268 = arith.shrsi %bitcast_convert_type3A_265, %shift_right_arithmetic3A_267 : vector<16xi32>
        %sub3A_269 = arith.constant 1597463007 : i32
        %sub3A_270 = vector.broadcast %sub3A_269 : i32 to vector<16xi32>
        %sub3A_271 = arith.subi %sub3A_270, %shift_right_arithmetic3A_268 : vector<16xi32>
        %bitcast_convert_type3A_272 = tpu.bitcast %sub3A_271 : vector<16xi32> -> vector<16xf32>
        %mul3A_273 = arith.constant 5.000000e-01 : f32
        %mul3A_274 = vector.broadcast %mul3A_273 : f32 to vector<16xf32>
        %mul3A_275 = arith.mulf %add3A_264, %mul3A_274 : vector<16xf32>
        %mul3A_276 = arith.mulf %mul3A_275, %bitcast_convert_type3A_272 : vector<16xf32>
        %mul3A_277 = arith.mulf %mul3A_276, %bitcast_convert_type3A_272 : vector<16xf32>
        %sub3A_278 = arith.constant 1.500000e+00 : f32
        %sub3A_279 = vector.broadcast %sub3A_278 : f32 to vector<16xf32>
        %sub3A_280 = arith.subf %sub3A_279, %mul3A_277 : vector<16xf32>
        %mul3A_281 = arith.mulf %bitcast_convert_type3A_272, %sub3A_280 : vector<16xf32>
        %mul3A_282 = arith.mulf %mul3A_275, %mul3A_281 : vector<16xf32>
        %mul3A_283 = arith.mulf %mul3A_282, %mul3A_281 : vector<16xf32>
        %sub3A_284 = arith.constant 1.500000e+00 : f32
        %sub3A_285 = vector.broadcast %sub3A_284 : f32 to vector<16xf32>
        %sub3A_286 = arith.subf %sub3A_285, %mul3A_283 : vector<16xf32>
        %mul3A_287 = arith.mulf %mul3A_281, %sub3A_286 : vector<16xf32>
        %mul3A_288 = arith.mulf %mul3A_275, %mul3A_287 : vector<16xf32>
        %mul3A_289 = arith.mulf %mul3A_288, %mul3A_287 : vector<16xf32>
        %sub3A_290 = arith.constant 1.500000e+00 : f32
        %sub3A_291 = vector.broadcast %sub3A_290 : f32 to vector<16xf32>
        %sub3A_292 = arith.subf %sub3A_291, %mul3A_289 : vector<16xf32>
        %mul3A_293 = arith.mulf %mul3A_287, %sub3A_292 : vector<16xf32>
        %mul3A_294 = arith.mulf %add3A_264, %mul3A_293 : vector<16xf32>
        %mul3A_295 = arith.constant 4 : i32
        %mul3A_296 = vector.broadcast %mul3A_295 : i32 to vector<16xi32>
        %mul3A_297 = arith.muli %iota3A, %mul3A_296 : vector<16xi32>
        %mul3A_298 = arith.constant 64 : i32
        %mul3A_299 = arith.muli %scan3A_232, %mul3A_298 : i32
        %add3A_300 = vector.broadcast %mul3A_299 : i32 to vector<16xi32>
        %add3A_301 = arith.addi %mul3A_297, %add3A_300 : vector<16xi32>
        tpu.vector_store_idx %arg8[%add3A_301], %sub3A_241 : memref<8000xf32, #tpu.memory_space<vmem>>[vector<16xi32>], vector<16xf32>,
        %add3A_302 = arith.constant 1 : i32
        %add3A_303 = vector.broadcast %add3A_302 : i32 to vector<16xi32>
        %add3A_304 = arith.addi %add3A_301, %add3A_303 : vector<16xi32>
        tpu.vector_store_idx %arg8[%add3A_304], %sub3A_250 : memref<8000xf32, #tpu.memory_space<vmem>>[vector<16xi32>], vector<16xf32>,
        %add3A_305 = arith.constant 2 : i32
        %add3A_306 = vector.broadcast %add3A_305 : i32 to vector<16xi32>
        %add3A_307 = arith.addi %add3A_301, %add3A_306 : vector<16xi32>
        tpu.vector_store_idx %arg8[%add3A_307], %sub3A_259 : memref<8000xf32, #tpu.memory_space<vmem>>[vector<16xi32>], vector<16xf32>,
        %add3A_308 = arith.constant 3 : i32
        %add3A_309 = vector.broadcast %add3A_308 : i32 to vector<16xi32>
        %add3A_310 = arith.addi %add3A_301, %add3A_309 : vector<16xi32>
        tpu.vector_store_idx %arg8[%add3A_310], %mul3A_294 : memref<8000xf32, #tpu.memory_space<vmem>>[vector<16xi32>], vector<16xf32>,
      }
      %scan3A_72 = arith.constant 124 : i32
      %scan3A_73 = arith.addi %scan3A_68, %scan3A_72 : i32
      %mul3A_74 = arith.constant 16 : i32
      %mul3A_75 = arith.muli %scan3A_73, %mul3A_74 : i32
      %get3A_76 = arith.index_cast %mul3A_75 : i32 to index
      %get3A_77 = tpu.vector_load %arg7[%get3A_76] {strides = array<i32>} : memref<12000xf32, #tpu.memory_space<vmem>>, vector<16xf32>,
      %add3A_78 = arith.constant 6000 : i32
      %add3A_79 = arith.addi %add3A_78, %mul3A_75 : i32
      %get3A_80 = arith.index_cast %add3A_79 : i32 to index
      %get3A_81 = tpu.vector_load %arg7[%get3A_80] {strides = array<i32>} : memref<12000xf32, #tpu.memory_space<vmem>>, vector<16xf32>,
      %sub3A = arith.subf %get3A_77, %get3A_81 : vector<16xf32>
      %add3A_82 = arith.constant 2000 : i32
      %add3A_83 = arith.addi %add3A_82, %mul3A_75 : i32
      %get3A_84 = arith.index_cast %add3A_83 : i32 to index
      %get3A_85 = tpu.vector_load %arg7[%get3A_84] {strides = array<i32>} : memref<12000xf32, #tpu.memory_space<vmem>>, vector<16xf32>,
      %add3A_86 = arith.constant 8000 : i32
      %add3A_87 = arith.addi %add3A_86, %mul3A_75 : i32
      %get3A_88 = arith.index_cast %add3A_87 : i32 to index
      %get3A_89 = tpu.vector_load %arg7[%get3A_88] {strides = array<i32>} : memref<12000xf32, #tpu.memory_space<vmem>>, vector<16xf32>,
      %sub3A_90 = arith.subf %get3A_85, %get3A_89 : vector<16xf32>
      %add3A_91 = arith.constant 4000 : i32
      %add3A_92 = arith.addi %add3A_91, %mul3A_75 : i32
      %get3A_93 = arith.index_cast %add3A_92 : i32 to index
      %get3A_94 = tpu.vector_load %arg7[%get3A_93] {strides = array<i32>} : memref<12000xf32, #tpu.memory_space<vmem>>, vector<16xf32>,
      %add3A_95 = arith.constant 10000 : i32
      %add3A_96 = arith.addi %add3A_95, %mul3A_75 : i32
      %get3A_97 = arith.index_cast %add3A_96 : i32 to index
      %get3A_98 = tpu.vector_load %arg7[%get3A_97] {strides = array<i32>} : memref<12000xf32, #tpu.memory_space<vmem>>, vector<16xf32>,
      %sub3A_99 = arith.subf %get3A_94, %get3A_98 : vector<16xf32>
      %mul3A_100 = arith.mulf %sub3A, %sub3A : vector<16xf32>
      %mul3A_101 = arith.mulf %sub3A_90, %sub3A_90 : vector<16xf32>
      %add3A_102 = arith.addf %mul3A_100, %mul3A_101 : vector<16xf32>
      %mul3A_103 = arith.mulf %sub3A_99, %sub3A_99 : vector<16xf32>
      %add3A_104 = arith.addf %add3A_102, %mul3A_103 : vector<16xf32>
      %bitcast_convert_type3A = tpu.bitcast %add3A_104 : vector<16xf32> -> vector<16xi32>
      %shift_right_arithmetic3A = arith.constant 1 : i32
      %shift_right_arithmetic3A_105 = vector.broadcast %shift_right_arithmetic3A : i32 to vector<16xi32>
      %shift_right_arithmetic3A_106 = arith.shrsi %bitcast_convert_type3A, %shift_right_arithmetic3A_105 : vector<16xi32>
      %sub3A_107 = arith.constant 1597463007 : i32
      %sub3A_108 = vector.broadcast %sub3A_107 : i32 to vector<16xi32>
      %sub3A_109 = arith.subi %sub3A_108, %shift_right_arithmetic3A_106 : vector<16xi32>
      %bitcast_convert_type3A_110 = tpu.bitcast %sub3A_109 : vector<16xi32> -> vector<16xf32>
      %mul3A_111 = arith.constant 5.000000e-01 : f32
      %mul3A_112 = vector.broadcast %mul3A_111 : f32 to vector<16xf32>
      %mul3A_113 = arith.mulf %add3A_104, %mul3A_112 : vector<16xf32>
      %mul3A_114 = arith.mulf %mul3A_113, %bitcast_convert_type3A_110 : vector<16xf32>
      %mul3A_115 = arith.mulf %mul3A_114, %bitcast_convert_type3A_110 : vector<16xf32>
      %sub3A_116 = arith.constant 1.500000e+00 : f32
      %sub3A_117 = vector.broadcast %sub3A_116 : f32 to vector<16xf32>
      %sub3A_118 = arith.subf %sub3A_117, %mul3A_115 : vector<16xf32>
      %mul3A_119 = arith.mulf %bitcast_convert_type3A_110, %sub3A_118 : vector<16xf32>
      %mul3A_120 = arith.mulf %mul3A_113, %mul3A_119 : vector<16xf32>
      %mul3A_121 = arith.mulf %mul3A_120, %mul3A_119 : vector<16xf32>
      %sub3A_122 = arith.constant 1.500000e+00 : f32
      %sub3A_123 = vector.broadcast %sub3A_122 : f32 to vector<16xf32>
      %sub3A_124 = arith.subf %sub3A_123, %mul3A_121 : vector<16xf32>
      %mul3A_125 = arith.mulf %mul3A_119, %sub3A_124 : vector<16xf32>
      %mul3A_126 = arith.mulf %mul3A_113, %mul3A_125 : vector<16xf32>
      %mul3A_127 = arith.mulf %mul3A_126, %mul3A_125 : vector<16xf32>
      %sub3A_128 = arith.constant 1.500000e+00 : f32
      %sub3A_129 = vector.broadcast %sub3A_128 : f32 to vector<16xf32>
      %sub3A_130 = arith.subf %sub3A_129, %mul3A_127 : vector<16xf32>
      %mul3A_131 = arith.mulf %mul3A_125, %sub3A_130 : vector<16xf32>
      %mul3A_132 = arith.mulf %add3A_104, %mul3A_131 : vector<16xf32>
      %mul3A_133 = arith.constant 4 : i32
      %mul3A_134 = vector.broadcast %mul3A_133 : i32 to vector<16xi32>
      %mul3A_135 = arith.muli %iota3A, %mul3A_134 : vector<16xi32>
      %mul3A_136 = arith.constant 64 : i32
      %mul3A_137 = arith.muli %scan3A_73, %mul3A_136 : i32
      %add3A_138 = vector.broadcast %mul3A_137 : i32 to vector<16xi32>
      %add3A_139 = arith.addi %mul3A_135, %add3A_138 : vector<16xi32>
      tpu.vector_store_idx %arg8[%add3A_139], %sub3A : memref<8000xf32, #tpu.memory_space<vmem>>[vector<16xi32>], vector<16xf32>,
      %add3A_140 = arith.constant 1 : i32
      %add3A_141 = vector.broadcast %add3A_140 : i32 to vector<16xi32>
      %add3A_142 = arith.addi %add3A_139, %add3A_141 : vector<16xi32>
      tpu.vector_store_idx %arg8[%add3A_142], %sub3A_90 : memref<8000xf32, #tpu.memory_space<vmem>>[vector<16xi32>], vector<16xf32>,
      %add3A_143 = arith.constant 2 : i32
      %add3A_144 = vector.broadcast %add3A_143 : i32 to vector<16xi32>
      %add3A_145 = arith.addi %add3A_139, %add3A_144 : vector<16xi32>
      tpu.vector_store_idx %arg8[%add3A_145], %sub3A_99 : memref<8000xf32, #tpu.memory_space<vmem>>[vector<16xi32>], vector<16xf32>,
      %add3A_146 = arith.constant 3 : i32
      %add3A_147 = vector.broadcast %add3A_146 : i32 to vector<16xi32>
      %add3A_148 = arith.addi %add3A_139, %add3A_147 : vector<16xi32>
      tpu.vector_store_idx %arg8[%add3A_148], %mul3A_132 : memref<8000xf32, #tpu.memory_space<vmem>>[vector<16xi32>], vector<16xf32>,
      %scan3A_149 = arith.constant 125 : i32
      %mul3A_150 = arith.constant 4 : i32
      %mul3A_151 = arith.muli %add3A_10, %mul3A_150 : i32
      "tpu.region"() ({
        %run_scoped3A = tpu.sem_alloc : memref<!tpu.dma_semaphore, #tpu.memory_space<semaphore_mem>>
        %dma_start3A_152 = tpu.memref_slice %arg4[%mul3A_151] : memref<12800000xf32, #tpu.memory_space<hbm>> -> memref<8000xf32, #tpu.memory_space<hbm>>
        %dma_start3A_153 = tpu.memref_slice %arg4[%mul3A_151] : memref<12800000xf32, #tpu.memory_space<hbm>> -> memref<8000xf32, #tpu.memory_space<hbm>>
        tpu.enqueue_dma source(%arg8 : memref<8000xf32, #tpu.memory_space<vmem>>) target(%dma_start3A_153 : memref<8000xf32, #tpu.memory_space<hbm>>) target_semaphore(%run_scoped3A : memref<!tpu.dma_semaphore, #tpu.memory_space<semaphore_mem>>)
        %dma_wait3A_154 = tpu.memref_slice %arg4[%mul3A_151] : memref<12800000xf32, #tpu.memory_space<hbm>> -> memref<8000xf32, #tpu.memory_space<hbm>>
        %dma_wait3A_155 = tpu.memref_slice %arg4[%mul3A_151] : memref<12800000xf32, #tpu.memory_space<hbm>> -> memref<8000xf32, #tpu.memory_space<hbm>>
        tpu.wait_dma2 semaphore(%run_scoped3A : memref<!tpu.dma_semaphore, #tpu.memory_space<semaphore_mem>>) src(%arg8 : memref<8000xf32, #tpu.memory_space<vmem>>) dst(%dma_wait3A_155 : memref<8000xf32, #tpu.memory_space<hbm>>)
        tpu.yield
      }) : () -> ()
    }
    %scan3A_6 = arith.constant 50 : i32
    return
  }
}

</mosaic_0001>

<sc_bundles>
// kernel: kernel.3.cloned.1.call-start
scs
__scs_entry_jumppad:
0x0: {  	(pc) =	sbr.rel $0x88, $3  }
0x1: {  	(tag) =	ssettag $0x0;
	lr =	simm.s32 $0x1  }
0x2: {  	[smem:$0x3F9F] =	sst lr;
	_ =	strace $0xD0000000  }
0x3: {  	_ = 	snop  }
0x4: {  	_ = 	snop  }
0x5: {  	_ = 	snop  }
0x6: {  	_ = 	snop  }
0x7: {  	_ = 	snop  }
__scs_overlays_trampoline_lowered:
0x8: {  	[smem:$0x3FAE] =	sst s0  }
0x9: {  	[smem:$0x3FAF] =	sst s1  }
0xa: {  	[smem:$0x3FB0] =	sst s2  }
0xb: {  	[smem:$0x3FB1] =	sst s3  }
0xc: {  	[smem:$0x3FB2] =	sst s4  }
0xd: {  	[smem:$0x3FB3] =	sst s5  }
0xe: {  	[smem:$0x3FB4] =	sst s6  }
0xf: {  	[smem:$0x3FB5] =	sst s7  }
0x10: {  	[smem:$0x3FB6] =	sst s8  }
0x11: {  	[smem:$0x3FB7] =	sst s9;
	s0 =	simm.s32 @!p0 $0x0  }
0x12: {  	s1 =	sld [smem:$0x3F9D];
	s0 =	simm.s32 @p0 $0x1  }
0x13: {  	[smem:$0x3FB8] =	sst s0;
	s0 =	simm.s32 @!p1 $0x0  }
0x14: {  	s2 =	sld [smem:$0x3F9C];
	s0 =	simm.s32 @p1 $0x1  }
0x15: {  	[smem:$0x3FB9] =	sst s0;
	s0 =	simm.s32 @!p2 $0x0  }
0x16: {  	s3 =	sld [smem:$0x3FDB];
	s0 =	simm.s32 @p2 $0x1  }
0x17: {  	s4 =	simm.s32 $0x1BF5;
	[smem:$0x3FBB] =	sst s0  }
0x18: {  	s0 =	sld [smem:$0x3F9E];
	_ =	swait.ge [sflag:s4], $0x0  }
0x19: {  	s7 =	sld [smem:$0x3F9F]  }
0x1a: {  	s8 =	sadd.s32 $0xFFFFE003, lr  }
0x1b: {  	s9 =	sadd.s32 $0xFFFFFEF7, lr;
	s5 =	simm.s32 $0xFFFFFFFF;
	p2 =	slt.u32 s8, $0xFFFFF086  }
0x1c: {  	p1 =	slt.u32 s9, $0xF7A;
	s5 =	simm.s32 @!p2 $0x0  }
0x1d: {  	s5 =	simm.s32 @p1 $0x1;
	p0 =	seq.s32 s7, s2  }
0x1e: {  	s7 =	smul.u32 @!p0 $0xF7A, s2;
	p2 =	seq.s32 @!p0 s5, $0x0  }
0x1f: {  	s9 =	smul.u32 $0xF7A, s1;
	s8 =	simm.s32 @!p0 $0x1BF5;
	p2 =	por !p2, p0  }
0x20: {  	[sflag:s8] =	ssyncset.s32 @!p0 $0xFFFFF086;
	s6 =	sadd.s32 @!p0 s3, s7;
	s7 =	simm.s32 @!p0 $0x108  }
0x21: {  	s3 =	sadd.s32 s3, s9;
	s6 =	sadd.s32 @!p0 $0x88, s6;
	s7 =	simm.s32 @p2 $0x1082  }
0x22: {  	[simem:s7], [sflag:s8] =	dma.local @!p0 [hbm:s6], $0xF7A  }
0x23: {  	s9 =	sor.u32 $0xD0000000, s2;
	s6 =	simm.s32 $0x108;
	_ =	swait.ge @!p0 [sflag:s8], $0x0  }
0x24: {  	s3 =	sadd.s32 $0x88, s3;
	s6 =	simm.s32 @!p1 $0x1082;
	[sflag:s4] =	ssyncset.s32 $0xFFFFF086  }
0x25: {  	[simem:s6], [sflag:s4] =	dma.local [hbm:s3], $0xF7A  }
0x26: {  	[smem:$0x3F9F] =	sst s1;
	(tag) =	ssettag s2;
	_ =	strace s9  }
0x27: {  	s1 =	sld [smem:$0x3FAF]  }
0x28: {  	s2 =	sld [smem:$0x3FB0]  }
0x29: {  	s4 =	sld [smem:$0x3FB2]  }
0x2a: {  	p0 =	seq.s32 s5, $0x0;
	s5 =	sld [smem:$0x3FB3]  }
0x2b: {  	s6 =	sld [smem:$0x3FB4]  }
0x2c: {  	s7 =	sld [smem:$0x3FB5]  }
0x2d: {  	s3 =	simm.s32 $0x108;
	s8 =	sld [smem:$0x3FB6]  }
0x2e: {  	s3 =	simm.s32 @!p0 $0x1082;
	s9 =	sld [smem:$0x3FB7]  }
0x2f: {  	lr =	sadd.s32 s0, s3;
	s0 =	sld [smem:$0x3FAE]  }
0x30: {  	s3 =	sld [smem:$0x3FB1]  }
0x31: {  	[smem:$0x3FBA] =	sst s10  }
0x32: {  	s10 =	sld [smem:$0x3FB8];
	_ =	sdelay $0x3  }
0x33: {  	p0 =	seq.s32 s10, $0x1;
	s10 =	sld [smem:$0x3FBA];
	_ =	sdelay $0x3  }
0x34: {  	[smem:$0x3FBA] =	sst s10  }
0x35: {  	s10 =	sld [smem:$0x3FB9];
	_ =	sdelay $0x3  }
0x36: {  	p1 =	seq.s32 s10, $0x1;
	s10 =	sld [smem:$0x3FBA];
	_ =	sdelay $0x3  }
0x37: {  	[smem:$0x3FBA] =	sst s10  }
0x38: {  	s10 =	sld [smem:$0x3FBB]  }
0x39: {  	_ = 	snop;
	(pc) =	sbr.ind lr, $3  }
0x3a: {  	_ = 	snop  }
0x3b: {  	_ = 	snop  }
0x3c: {  	p2 =	seq.s32 s10, $0x1;
	s10 =	sld [smem:$0x3FBA]  }
0x3d: {  	_ =	shalt  }
0x3e: {  	_ =	shalt  }
0x3f: {  	_ =	shalt  }
0x40: {  	_ =	shalt  }
0x41: {  	_ =	shalt  }
0x42: {  	_ =	shalt  }
0x43: {  	_ =	shalt  }
0x44: {  	_ =	shalt  }
0x45: {  	_ =	shalt  }
0x46: {  	_ =	shalt  }
0x47: {  	_ =	shalt  }
0x48: {  	_ =	shalt  }
0x49: {  	_ =	shalt  }
0x4a: {  	_ =	shalt  }
0x4b: {  	_ =	shalt  }
0x4c: {  	_ =	shalt  }
0x4d: {  	_ =	shalt  }
0x4e: {  	_ =	shalt  }
0x4f: {  	_ =	shalt  }
0x50: {  	_ =	shalt  }
0x51: {  	_ =	shalt  }
0x52: {  	_ =	shalt  }
0x53: {  	_ =	shalt  }
0x54: {  	_ =	shalt  }
0x55: {  	_ =	shalt  }
0x56: {  	_ =	shalt  }
0x57: {  	_ =	shalt  }
0x58: {  	_ =	shalt  }
0x59: {  	_ =	shalt  }
0x5a: {  	_ =	shalt  }
0x5b: {  	_ =	shalt  }
0x5c: {  	_ =	shalt  }
0x5d: {  	_ =	shalt  }
0x5e: {  	_ =	shalt  }
0x5f: {  	_ =	shalt  }
0x60: {  	_ =	shalt  }
0x61: {  	_ =	shalt  }
0x62: {  	_ =	shalt  }
0x63: {  	_ =	shalt  }
0x64: {  	_ =	shalt  }
0x65: {  	_ =	shalt  }
0x66: {  	_ =	shalt  }
0x67: {  	_ =	shalt  }
0x68: {  	_ =	shalt  }
0x69: {  	_ =	shalt  }
0x6a: {  	_ =	shalt  }
0x6b: {  	_ =	shalt  }
0x6c: {  	_ =	shalt  }
0x6d: {  	_ =	shalt  }
0x6e: {  	_ =	shalt  }
0x6f: {  	_ =	shalt  }
0x70: {  	_ =	shalt  }
0x71: {  	_ =	shalt  }
0x72: {  	_ =	shalt  }
0x73: {  	_ =	shalt  }
0x74: {  	_ =	shalt  }
0x75: {  	_ =	shalt  }
0x76: {  	_ =	shalt  }
0x77: {  	_ =	shalt  }
0x78: {  	_ =	shalt  }
0x79: {  	_ =	shalt  }
0x7a: {  	_ =	shalt  }
0x7b: {  	_ =	shalt  }
0x7c: {  	_ =	shalt  }
0x7d: {  	_ =	shalt  }
0x7e: {  	_ =	shalt  }
0x7f: {  	_ =	shalt  }
0x80: {  	_ =	shalt  }
0x81: {  	_ =	shalt  }
0x82: {  	_ =	shalt  }
0x83: {  	_ =	shalt  }
0x84: {  	_ =	shalt  }
0x85: {  	_ =	shalt  }
0x86: {  	_ =	shalt  }
0x87: {  	_ =	shalt  }
.Lfunc_end0:
.L_simem_size_0:
called_computation.1_lowered:
.L_overlay_start_0:
0x88: {  	s2 =	sld [smem:$0x3FD9]  }
0x89: {  	s3 =	sld [smem:$0x3FFE];
	_ =	sdelay $0x1  }
0x8a: {  	s1 =	srdreg.scid  }
0x8b: {  	s0 =	sand.u32 $0x1, s1  }
0x8c: {  	s15 =	sshll.u32 s0, $0xA;
	s2 =	sadd.s32 s3, s2  }
0x8d: {  	s2 =	sadd.s32 s2, s15  }
0x8e: {  	[smem:$0x3FC6] =	sst s2  }
0x8f: {  	_ = 	snop  }
0x90: {  	s2 =	sld [smem:$0x3FD0];
	_ =	sdelay $0x2  }
0x91: {  	s16 =	simm.s32 $0xA;
	s4 =	simm.s32 $0x10  }
0x92: {  	[smem:s4], [sflag:s16] =	dma.local [hbm:s2], $0x1  }
0x93: {  	_ =	swait.eq [sflag:s16], $0x1  }
0x94: {  	s17 =	sld [smem:$0x10];
	[sflag:s16] =	ssyncset.done $0x0  }
0x95: {  	s18 =	sld [smem:$0x11];
	[sflag:s16] =	ssyncadd.s32 $0xFFFFFFFF  }
0x96: {  	s19 =	sld [smem:$0x12];
	(tm) =	ssettm $0x1  }
0x97: {  	s5 =	sld [smem:$0x3FFB];
	_ =	sdelay $0x3  }
0x98: {  	_ =	strace s5  }
0x99: {  	s5 =	sld [smem:$0x3FFC];
	_ =	sdelay $0x3  }
0x9a: {  	_ =	strace s5  }
0x9b: {  	s5 =	sld [smem:$0x3FFD];
	_ =	sdelay $0x3  }
0x9c: {  	_ =	strace s5  }
0x9d: {  	_ =	strace $0x8FFFFFFF  }
0x9e: {  	s20 =	sld [smem:$0x3FDB];
	_ =	sdelay $0x1  }
0x9f: {  	s6 =	simm.s32 $_scs_section_size  }
0xa0: {  	s7 =	simm.s32 $_size__tile_overlayer_lowered;
	s8 =	simm.s32 $_tile_overlayer_lowered  }
0xa1: {  	s23 =	simm.s32 $0x1BFF;
	s22 =	sshll.u32 s8, $0x1;
	s5 =	sadd.s32 s6, s20  }
0xa2: {  	s9 =	simm.s32 $0x0;
	s21 =	sshll.u32 s7, $0x1;
	s7 =	sadd.s32 s22, s5  }
0xa3: {  	[timem:s9], [sflag:s23] =	dma.local [hbm:s7], s21  }
0xa4: {  	_ =	swait.ge [sflag:s23], s21  }
0xa5: {  	s6 =	ssub.s32 $0x0, s21;
	[sflag:s23] =	ssyncset.done $0x0  }
0xa6: {  	[sflag:s23] =	ssyncadd.s32 s6;
	_ =	sdelay $0x1  }
0xa7: {  	s24 =	simm.s32 $0x1B8B  }
0xa8: {  	_ =	swait.ge [sflag:s24], $0x1  }
0xa9: {  	[sflag:s24] =	ssyncset.done $0x0  }
0xaa: {  	s25 =	simm.s32 $0x1B8E;
	[sflag:s24] =	ssyncadd.s32 $0xFFFFFFFF  }
0xab: {  	s26 =	simm.s32 $execute0_lowered;
	[smem:$0x3FD2] =	sst s25  }
0xac: {  	s6 =	sshll.u32 s26, $0x1;
	_ =	strace $0x80000046;
	[dreg:$0x1] =	wrdreg $0xFFFFFFFF  }
0xad: {  	s28 =	simm.s32 $_size_execute0_lowered;
	s5 =	sadd.s32 s5, s6;
	[dreg:$0x0] =	wrdreg $0x0  }
0xae: {  	s6 =	sshll.u32 s28, $0x1;
	[dreg:$0x2] =	wrdreg s5  }
0xaf: {  	[dreg:$0x3] =	wrdreg s6  }
0xb0: {  	[dreg:$0x4] =	wrdreg $0xC0  }
0xb1: {  	_ =	task [dreg:s9], $0x5FFFF  }
0xb2: {  	[dreg:$0x1] =	wrdreg $0xFFFFFFFF  }
0xb3: {  	[dreg:$0x0] =	wrdreg $0x60  }
0xb4: {  	[dreg:$0x2] =	wrdreg s17  }
0xb5: {  	[dreg:$0x3] =	wrdreg s18  }
0xb6: {  	[dreg:$0x4] =	wrdreg s19  }
0xb7: {  	[dreg:$0x5] =	wrdreg $0x9  }
0xb8: {  	_ =	task.clear_ibuf [dreg:s9], $0x6FFFF;
	_ =	strace $0x90000046  }
0xb9: {  	s29 =	simm.s32 $0x9;
	_ =	strace $0x80000048  }
0xba: {  	_ =	swait.ge [sflag:s29], $0x1  }
0xbb: {  	[sflag:s29] =	ssyncadd.s32 $0xFFFFFFFF  }
0xbc: {  	_ =	strace $0x90000048  }
0xbd: {  	_ =	sfence  }
0xbe: {  	s30 =	sld [smem:$0x0];
	_ =	sdelay $0x2  }
0xbf: {  	s31 =	sshll.u32 s1, $0xD;
	s1 =	sshrl.u32 s1, $0x2  }
0xc0: {  	s3 =	sand.u32 $0x4000, s31;
	s1 =	sadd.s32 s1, s30  }
0xc1: {  	s0 =	sor.u32 s3, s0;
	s1 =	sshll.u32 s1, $0x11  }
0xc2: {  	s0 =	sor.u32 s1, s0  }
0xc3: {  	s0 =	sadd.s32 $0x8F2B, s0  }
0xc4: {  	[sflag:s0] =	ssyncadd.remote.s32 $0x1  }
0xc5: {  	_ =	sfence.sel $0xFFFF  }
0xc6: {  	[dreg:$0x0] =	wrdreg $0xFFFFFFFF;
	(pc) =	sbr.abs _section_cstart, $3  }
0xc7: {  	[dreg:$0x1] =	wrdreg $0xFFFFFFFF  }
0xc8: {  	_ =	task.clear_ibuf [dreg:s9], $0x2FFFF;
	_ =	strace $0x9FFFFFFF  }
0xc9: {  	(tm) =	ssettm $0x7FFFFFFF  }
tec
execute0_lowered:
.L_overlay_start_1:
0x0: {  	(tag) =	ssettag $0x1  }
0x1: {  	s1 =	rddreg [dreg:$0x0]  }
0x2: {  	s3 =	rddreg [dreg:$0x1]  }
0x3: {  	s4 =	rddreg [dreg:$0x2];
	s5 =	srdreg.scid  }
0x4: {  	s0 =	rddreg [dreg:$0x3];
	s2 =	stileid.u32;
	v0 =	vlaneseq.u32;
	s10 =	simm.s32 $0x2EE0  }
0x5: {  	s11 =	simm.s32 $0x1000;
	s12 =	simm.s32 $0x3F00;
	s13 =	simm.s32 $0x1;
	v0 =	vmul.u32 $0x4, v0  }
0x6: {  	s14 =	simm.s32 $0x6E00;
	s15 =	simm.s32 $0x0;
	s6 =	sand.u32 $0x1, s5  }
0x7: {  	s5 =	simm.s32 $0x0;
	s8 =	sshll.u32 s2, $0x1;
	s7 =	ssub.s32 $0x2, s6;
	v1 =	vor.u32 $0x1, v0  }
0x8: {  	[smem:$0x7FF] =	sst s5;
	s6 =	sor.u32 s6, s8;
	s9 =	sshrl.u32 s7, $0x1;
	v2 =	vor.u32 $0x2, v0;
	v3 =	vor.u32 $0x3, v0;
	v4 =	vor.u32 $0x41, v0  }
0x9: {  	s8 =	simm.s32 $0x2;
	_ =	strace $0x80000047;
	v5 =	vor.u32 $0x42, v0;
	v6 =	vor.u32 $0x43, v0;
	v7 =	vor.u32 $0x1F00, v0;
	s7 =	ssub.s32 s7, s9  }
0xa: {  	s6 =	smul.u32 $0x186A0, s6;
	v8 =	vor.u32 $0x1F01, v0;
	v9 =	vor.u32 $0x1F02, v0;
	v10 =	vor.u32 $0x1F03, v0;
	s9 =	simm.s32 $0x7D0;
	s7 =	smax.u32 s7, $0x1  }
.LBB2_1:
0xb: {  	s16 =	simm.s32 $0x0  }
.LBB2_2:
0xc: {  	s17 =	smul.u32 $0x7D0, s16;
	_ =	sdelay $0x1  }
0xd: {  	s17 =	sadd.s32 s6, s17  }
0xe: {  	s18 =	sshrl.u32 s17, $0x3  }
0xf: {  	s19 =	sadd.s32 s3, s18;
	s18 =	simm.s32 $0x0  }
0x10: {  	[tilespmem:s18], [sflag:$0x2] =	stream.linear.gather [hbm4b:s19+s18], $0x7D0, $0x38;
	[tilespmem:$0x8D80] =	vst v63  }
0x11: {  	_ =	swait.ge [sflag:s8], $0x7D0  }
0x12: {  	[sflag:s8] =	ssyncset.done $0x0  }
0x13: {  	s19 =	sadd.s32 $0x61A80, s19;
	[sflag:s8] =	ssyncadd.s32 $0xFFFFF830  }
0x14: {  	[tilespmem:s9], [sflag:$0x2] =	stream.linear.gather [hbm4b:s19+s18], $0x7D0, $0x38;
	[tilespmem:$0x8D80] =	vst v63  }
0x15: {  	_ =	swait.ge [sflag:s8], $0x7D0  }
0x16: {  	[sflag:s8] =	ssyncset.done $0x0  }
0x17: {  	s20 =	simm.s32 $0x7E0;
	[sflag:s8] =	ssyncadd.s32 $0xFFFFF830  }
0x18: {  	v11 =	vld [tilespmem:s20+$0xFFFFF820]  }
0x19: {  	v12 =	vld [tilespmem:s20+$0xFFFFFFF0];
	_ =	sdelay $0x3  }
0x1a: {  	s19 =	simm.s32 $0x3720;
	v11 =	vshll.u32 v11, $0x2  }
0x1b: {  	v12 =	vshll.u32 v12, $0x2;
	[tilespmem:s19+$0xFFFFD8E0] =	vst v11  }
0x1c: {  	[tilespmem:s19+$0xFFFFF050] =	vst v12;
	v13 =	vor.u32 $0x1, v12  }
0x1d: {  	v12 =	vor.u32 $0x2, v12;
	[tilespmem:s19+$0xFFFFF820] =	vst v13  }
0x1e: {  	v13 =	vor.u32 $0x2, v11;
	[tilespmem:s19+$0xFFFFFFF0] =	vst v12  }
0x1f: {  	v11 =	vor.u32 $0x1, v11;
	[tilespmem:s19+$0xFFFFE880] =	vst v13  }
0x20: {  	[tilespmem:s19+$0xFFFFE0B0] =	vst v11  }
0x21: {  	v12 =	vld [tilespmem:s20+$0xFFFFF830];
	_ =	sdelay $0x1  }
0x22: {  	s22 =	simm.s32 $0x0  }
0x23: {  	s23 =	simm.s32 $0x800;
	s21 =	simm.s32 $0x0;
	v11 =	vld [tilespmem:s20+$0x0];
	s20 =	simm.s32 $0x3720  }
.LBB2_3:
0x24: {  	s22 =	sadd.s32 $0x2, s22;
	s19 =	sadd.s32 $0x20, s19;
	s18 =	sadd.s32 $0x20, s18  }
0x25: {  	p0 =	slt.u32 s22, $0x7A;
	v12 =	vshll.u32 v12, $0x2  }
0x26: {  	[tilespmem:s20+$0xFFFFD8F0] =	vst v12;
	v13 =	vor.u32 $0x1, v12;
	v12 =	vor.u32 $0x2, v12  }
0x27: {  	[tilespmem:s20+$0xFFFFE0C0] =	vst v13  }
0x28: {  	s24 =	sand.u32 $0x7E0, s21;
	s21 =	smov.u32 s18;
	v11 =	vshll.u32 v11, $0x2;
	[tilespmem:s20+$0xFFFFE890] =	vst v12  }
0x29: {  	[tilespmem:s24+$0x2780] =	vst v11;
	v12 =	vor.u32 $0x1, v11;
	v11 =	vor.u32 $0x2, v11  }
0x2a: {  	[tilespmem:s20+$0xFFFFF830] =	vst v12  }
0x2b: {  	[tilespmem:s20+$0x0] =	vst v11;
	s20 =	smov.u32 s19  }
0x2c: {  	v11 =	vld [tilespmem:s23+$0xFFFFF820]  }
0x2d: {  	v12 =	vld [tilespmem:s23+$0xFFFFFFF0];
	_ =	sdelay $0x3  }
0x2e: {  	v11 =	vshll.u32 v11, $0x2  }
0x2f: {  	v12 =	vshll.u32 v12, $0x2;
	[tilespmem:s19+$0xFFFFD8E0] =	vst v11;
	v13 =	vor.u32 $0x1, v11;
	v11 =	vor.u32 $0x2, v11  }
0x30: {  	[tilespmem:s19+$0xFFFFF050] =	vst v12;
	v14 =	vor.u32 $0x1, v12;
	v12 =	vor.u32 $0x2, v12  }
0x31: {  	[tilespmem:s19+$0xFFFFF820] =	vst v14  }
0x32: {  	[tilespmem:s19+$0xFFFFFFF0] =	vst v12  }
0x33: {  	[tilespmem:s19+$0xFFFFE880] =	vst v11  }
.Ltmp0:
0x34: {  	[tilespmem:s19+$0xFFFFE0B0] =	vst v13;
	(pc) =	sbr.rel @p0 .LBB2_3-.Ltmp0, $2  }
0x35: {  	v12 =	vld [tilespmem:s23+$0xFFFFF830];
	_ =	sdelay $0x2  }
0x36: {  	v11 =	vld [tilespmem:s23+$0x0];
	s23 =	sadd.s32 $0x20, s23  }
0x37: {  	_ = 	snop  }
0x38: {  	v12 =	vshll.u32 v12, $0x2  }
0x39: {  	[tilespmem:s20+$0xFFFFD8F0] =	vst v12;
	v13 =	vor.u32 $0x1, v12  }
0x3a: {  	v12 =	vor.u32 $0x2, v12;
	[tilespmem:s20+$0xFFFFE0C0] =	vst v13  }
0x3b: {  	s18 =	sand.u32 $0x7E0, s21;
	[tilespmem:s20+$0xFFFFE890] =	vst v12;
	v11 =	vshll.u32 v11, $0x2  }
0x3c: {  	[tilespmem:s18+$0x2780] =	vst v11;
	v12 =	vor.u32 $0x1, v11  }
0x3d: {  	v11 =	vor.u32 $0x2, v11;
	[tilespmem:s20+$0xFFFFF830] =	vst v12  }
0x3e: {  	[tilespmem:s20+$0x0] =	vst v11  }
0x3f: {  	v11 =	vld [tilespmem:$0x7C0]  }
0x40: {  	v12 =	vld [tilespmem:$0xF90];
	_ =	sdelay $0x3  }
0x41: {  	v11 =	vshll.u32 v11, $0x2  }
0x42: {  	v12 =	vshll.u32 v12, $0x2;
	[tilespmem:$0x17C0] =	vst v11  }
0x43: {  	v13 =	vor.u32 $0x1, v11;
	[tilespmem:$0x2F30] =	vst v12  }
0x44: {  	v11 =	vor.u32 $0x2, v11;
	[tilespmem:$0x1F90] =	vst v13  }
0x45: {  	[tilespmem:$0x2760] =	vst v11;
	v11 =	vor.u32 $0x1, v12  }
0x46: {  	[tilespmem:$0x3700] =	vst v11;
	v11 =	vor.u32 $0x2, v12  }
0x47: {  	[tilespmem:$0x3ED0] =	vst v11  }
0x48: {  	[tilespmem:s12], [sflag:$0x1] =	stream.indirect.gather [hbm4b:s1+s10], $0x1, s11, s10, $0xb8;
	[tilespmem:$0x8D80] =	vst v63  }
0x49: {  	_ =	swait.ge [sflag:s13], $0x2EE0  }
0x4a: {  	[sflag:s13] =	ssyncset.done $0x0  }
0x4b: {  	s18 =	simm.s32 $0x0;
	[sflag:s13] =	ssyncadd.s32 $0xFFFFD120  }
0x4c: {  	v11 =	vld [tilespmem:s18+$0x5E40]  }
0x4d: {  	v12 =	vld [tilespmem:s18+$0x3F00]  }
0x4e: {  	v13 =	vld [tilespmem:s18+$0x46D0]  }
0x4f: {  	v14 =	vld [tilespmem:s18+$0x5670]  }
0x50: {  	v15 =	vld [tilespmem:s18+$0x4EA0]  }
0x51: {  	v16 =	vld [tilespmem:s18+$0x6610];
	_ =	sdelay $0x2  }
0x52: {  	v12 =	vsub.f32 v12, v14;
	v11 =	vsub.f32 v13, v11;
	_ =	sdelay $0x1  }
0x53: {  	v13 =	vsub.f32 v15, v16;
	v14 =	vmul.f32 v12, v12;
	v15 =	vmul.f32 v11, v11;
	_ =	sdelay $0x1  }
0x54: {  	v14 =	vadd.f32 v15, v14;
	v15 =	vmul.f32 v13, v13;
	_ =	sdelay $0x1  }
0x55: {  	v14 =	vadd.f32 v15, v14;
	_ =	sdelay $0x1  }
0x56: {  	v15 =	vshra.s32 v14, $0x1;
	v62 =	vmul.f32 $5.000000000e-01, v14  }
0x57: {  	v15 =	vsub.s32 $0x5F3759DF, v15  }
0x58: {  	v17 =	vmul.f32 v15, v62;
	_ =	sdelay $0x1  }
0x59: {  	v17 =	vmul.f32 v15, v17;
	_ =	sdelay $0x1  }
0x5a: {  	v17 =	vsub.f32 $1.500000000e+00, v17;
	_ =	sdelay $0x1  }
0x5b: {  	v15 =	vmul.f32 v15, v17;
	_ =	sdelay $0x1  }
0x5c: {  	v17 =	vmul.f32 v15, v62;
	_ =	sdelay $0x1  }
0x5d: {  	v17 =	vmul.f32 v17, v15;
	_ =	sdelay $0x1  }
0x5e: {  	v17 =	vsub.f32 $1.500000000e+00, v17;
	_ =	sdelay $0x1  }
0x5f: {  	v15 =	vmul.f32 v17, v15;
	_ =	sdelay $0x1  }
0x60: {  	v16 =	vmul.f32 v15, v62  }
0x61: {  	s20 =	simm.s32 $0x0  }
0x62: {  	v63 =	vor.u32 s20, v0;
	v16 =	vmul.f32 v16, v15  }
0x63: {  	v18 =	vor.u32 s20, v1  }
0x64: {  	v19 =	vor.u32 s20, v2;
	v16 =	vsub.f32 $1.500000000e+00, v16  }
0x65: {  	v20 =	vor.u32 s20, v3  }
0x66: {  	v15 =	vmul.f32 v16, v15  }
0x67: {  	[tilespmem:v63+s14+$0x0] =	vst.idx.msk $0xffff, v12  }
0x68: {  	[tilespmem:v18+s14+$0x0] =	vst.idx.msk $0xffff, v11;
	v12 =	vmul.f32 v15, v14  }
0x69: {  	[tilespmem:v19+s14+$0x0] =	vst.idx.msk $0xffff, v13  }
0x6a: {  	[tilespmem:v20+s14+$0x0] =	vst.idx.msk $0xffff, v12  }
0x6b: {  	v11 =	vld [tilespmem:s18+$0x3F10]  }
0x6c: {  	v12 =	vld [tilespmem:s18+$0x46E0]  }
0x6d: {  	v13 =	vld [tilespmem:s18+$0x5680]  }
0x6e: {  	s21 =	simm.s32 $0x0;
	s19 =	simm.s32 $0x40;
	v14 =	vld [tilespmem:s18+$0x5E50]  }
.LBB2_5:
0x6f: {  	s21 =	sadd.s32 $0x2, s21;
	v15 =	vld [tilespmem:s18+$0x4EB0];
	s20 =	sadd.s32 $0x80, s20  }
0x70: {  	s22 =	sadd.s32 $0x40, s20;
	p0 =	slt.u32 s21, $0x7A;
	v16 =	vld [tilespmem:s18+$0x6620]  }
0x71: {  	v17 =	vor.u32 s19, v0  }
0x72: {  	v18 =	vor.u32 s19, v4  }
0x73: {  	v11 =	vsub.f32 v11, v13;
	v13 =	vor.u32 s19, v5;
	v12 =	vsub.f32 v12, v14;
	_ =	sdelay $0x1  }
0x74: {  	s18 =	sshra.s32 s20, $0x2;
	v14 =	vsub.f32 v15, v16;
	v15 =	vmul.f32 v11, v11;
	v16 =	vmul.f32 v12, v12  }
0x75: {  	[tilespmem:v17+s14+$0x0] =	vst.idx.msk $0xffff, v11  }
0x76: {  	v11 =	vadd.f32 v16, v15;
	v15 =	vmul.f32 v14, v14;
	[tilespmem:v18+s14+$0x0] =	vst.idx.msk $0xffff, v12  }
0x77: {  	[tilespmem:v13+s14+$0x0] =	vst.idx.msk $0xffff, v14  }
0x78: {  	v11 =	vadd.f32 v15, v11;
	_ =	sdelay $0x1  }
0x79: {  	v12 =	vshra.s32 v11, $0x1;
	v13 =	vmul.f32 $5.000000000e-01, v11  }
0x7a: {  	v12 =	vsub.s32 $0x5F3759DF, v12  }
0x7b: {  	v14 =	vmul.f32 v12, v13;
	_ =	sdelay $0x1  }
0x7c: {  	v14 =	vmul.f32 v12, v14;
	_ =	sdelay $0x1  }
0x7d: {  	v14 =	vsub.f32 $1.500000000e+00, v14;
	_ =	sdelay $0x1  }
0x7e: {  	v12 =	vmul.f32 v12, v14;
	_ =	sdelay $0x1  }
0x7f: {  	v14 =	vmul.f32 v12, v13;
	_ =	sdelay $0x1  }
0x80: {  	v14 =	vmul.f32 v14, v12;
	_ =	sdelay $0x1  }
0x81: {  	v14 =	vsub.f32 $1.500000000e+00, v14;
	_ =	sdelay $0x1  }
0x82: {  	v12 =	vmul.f32 v14, v12;
	_ =	sdelay $0x1  }
0x83: {  	v13 =	vmul.f32 v12, v13;
	_ =	sdelay $0x1  }
0x84: {  	v13 =	vmul.f32 v13, v12;
	_ =	sdelay $0x1  }
0x85: {  	v13 =	vsub.f32 $1.500000000e+00, v13  }
0x86: {  	v14 =	vor.u32 s19, v6;
	s19 =	smov.u32 s22  }
0x87: {  	v12 =	vmul.f32 v13, v12;
	_ =	sdelay $0x1  }
0x88: {  	v11 =	vmul.f32 v12, v11;
	_ =	sdelay $0x1  }
0x89: {  	[tilespmem:v14+s14+$0x0] =	vst.idx.msk $0xffff, v11  }
0x8a: {  	v11 =	vld [tilespmem:s18+$0x5E40]  }
0x8b: {  	v12 =	vld [tilespmem:s18+$0x3F00]  }
0x8c: {  	v13 =	vld [tilespmem:s18+$0x46D0]  }
0x8d: {  	v14 =	vld [tilespmem:s18+$0x5670]  }
0x8e: {  	v15 =	vld [tilespmem:s18+$0x4EA0]  }
0x8f: {  	v16 =	vld [tilespmem:s18+$0x6610];
	_ =	sdelay $0x2  }
0x90: {  	v11 =	vsub.f32 v13, v11;
	v12 =	vsub.f32 v12, v14;
	_ =	sdelay $0x1  }
0x91: {  	v13 =	vsub.f32 v15, v16;
	v14 =	vmul.f32 v12, v12;
	v15 =	vmul.f32 v11, v11;
	_ =	sdelay $0x1  }
0x92: {  	v14 =	vadd.f32 v15, v14;
	v15 =	vmul.f32 v13, v13;
	_ =	sdelay $0x1  }
0x93: {  	v14 =	vadd.f32 v15, v14;
	_ =	sdelay $0x1  }
0x94: {  	v15 =	vshra.s32 v14, $0x1;
	v16 =	vmul.f32 $5.000000000e-01, v14  }
0x95: {  	v15 =	vsub.s32 $0x5F3759DF, v15  }
0x96: {  	v17 =	vmul.f32 v15, v16;
	_ =	sdelay $0x1  }
0x97: {  	v17 =	vmul.f32 v15, v17;
	_ =	sdelay $0x1  }
0x98: {  	v17 =	vsub.f32 $1.500000000e+00, v17;
	_ =	sdelay $0x1  }
0x99: {  	v15 =	vmul.f32 v15, v17;
	_ =	sdelay $0x1  }
0x9a: {  	v17 =	vmul.f32 v15, v16;
	_ =	sdelay $0x1  }
0x9b: {  	v17 =	vmul.f32 v17, v15;
	_ =	sdelay $0x1  }
0x9c: {  	v17 =	vsub.f32 $1.500000000e+00, v17;
	_ =	sdelay $0x1  }
0x9d: {  	v15 =	vmul.f32 v17, v15;
	_ =	sdelay $0x1  }
0x9e: {  	v16 =	vmul.f32 v15, v16;
	_ =	sdelay $0x1  }
0x9f: {  	v17 =	vor.u32 s20, v0;
	v16 =	vmul.f32 v16, v15  }
0xa0: {  	v18 =	vor.u32 s20, v1  }
0xa1: {  	v19 =	vor.u32 s20, v2;
	v16 =	vsub.f32 $1.500000000e+00, v16  }
0xa2: {  	v20 =	vor.u32 s20, v3  }
0xa3: {  	v15 =	vmul.f32 v16, v15  }
0xa4: {  	[tilespmem:v17+s14+$0x0] =	vst.idx.msk $0xffff, v12  }
0xa5: {  	v12 =	vmul.f32 v15, v14;
	[tilespmem:v18+s14+$0x0] =	vst.idx.msk $0xffff, v11  }
0xa6: {  	[tilespmem:v19+s14+$0x0] =	vst.idx.msk $0xffff, v13  }
.Ltmp1:
0xa7: {  	[tilespmem:v20+s14+$0x0] =	vst.idx.msk $0xffff, v12;
	(pc) =	sbr.rel @p0 .LBB2_5-.Ltmp1, $4  }
0xa8: {  	v11 =	vld [tilespmem:s18+$0x3F10]  }
0xa9: {  	v12 =	vld [tilespmem:s18+$0x46E0]  }
0xaa: {  	v13 =	vld [tilespmem:s18+$0x5680]  }
0xab: {  	v14 =	vld [tilespmem:s18+$0x5E50]  }
0xac: {  	v15 =	vld [tilespmem:s18+$0x4EB0]  }
0xad: {  	v16 =	vld [tilespmem:s18+$0x6620];
	_ =	sdelay $0x2  }
0xae: {  	v11 =	vsub.f32 v11, v13;
	v12 =	vsub.f32 v12, v14;
	_ =	sdelay $0x1  }
0xaf: {  	v48 =	vsub.f32 v15, v16;
	v49 =	vmul.f32 v11, v11;
	v50 =	vmul.f32 v12, v12;
	_ =	sdelay $0x1  }
0xb0: {  	v51 =	vmul.f32 v48, v48;
	v14 =	vadd.f32 v50, v49;
	_ =	sdelay $0x1  }
0xb1: {  	v14 =	vadd.f32 v51, v14;
	_ =	sdelay $0x1  }
0xb2: {  	v15 =	vshra.s32 v14, $0x1;
	v52 =	vmul.f32 $5.000000000e-01, v14  }
0xb3: {  	v15 =	vsub.s32 $0x5F3759DF, v15  }
0xb4: {  	v17 =	vmul.f32 v15, v52;
	_ =	sdelay $0x1  }
0xb5: {  	v17 =	vmul.f32 v15, v17;
	_ =	sdelay $0x1  }
0xb6: {  	v17 =	vsub.f32 $1.500000000e+00, v17;
	_ =	sdelay $0x1  }
0xb7: {  	v15 =	vmul.f32 v15, v17;
	_ =	sdelay $0x1  }
0xb8: {  	v17 =	vmul.f32 v15, v52;
	_ =	sdelay $0x1  }
0xb9: {  	v17 =	vmul.f32 v17, v15;
	_ =	sdelay $0x1  }
0xba: {  	v17 =	vsub.f32 $1.500000000e+00, v17;
	_ =	sdelay $0x1  }
0xbb: {  	v15 =	vmul.f32 v17, v15;
	_ =	sdelay $0x1  }
0xbc: {  	v16 =	vmul.f32 v15, v52;
	_ =	sdelay $0x1  }
0xbd: {  	v53 =	vor.u32 s19, v0;
	v16 =	vmul.f32 v16, v15  }
0xbe: {  	v18 =	vor.u32 s19, v4  }
0xbf: {  	v19 =	vor.u32 s19, v5;
	v16 =	vsub.f32 $1.500000000e+00, v16  }
0xc0: {  	v20 =	vor.u32 s19, v6  }
0xc1: {  	v15 =	vmul.f32 v16, v15  }
0xc2: {  	[tilespmem:v53+s14+$0x0] =	vst.idx.msk $0xffff, v11  }
0xc3: {  	[tilespmem:v18+s14+$0x0] =	vst.idx.msk $0xffff, v12;
	v11 =	vmul.f32 v15, v14  }
0xc4: {  	[tilespmem:v19+s14+$0x0] =	vst.idx.msk $0xffff, v48  }
0xc5: {  	[tilespmem:v20+s14+$0x0] =	vst.idx.msk $0xffff, v11  }
0xc6: {  	v11 =	vld [tilespmem:$0x46C0]  }
0xc7: {  	v12 =	vld [tilespmem:$0x5E30]  }
0xc8: {  	v13 =	vld [tilespmem:$0x4E90]  }
0xc9: {  	v54 =	vld [tilespmem:$0x6600]  }
0xca: {  	v55 =	vld [tilespmem:$0x5660]  }
0xcb: {  	v56 =	vld [tilespmem:$0x6DD0];
	_ =	sdelay $0x2  }
0xcc: {  	v11 =	vsub.f32 v11, v12;
	v57 =	vsub.f32 v13, v54;
	_ =	sdelay $0x1  }
0xcd: {  	v58 =	vsub.f32 v55, v56;
	v59 =	vmul.f32 v11, v11;
	v60 =	vmul.f32 v57, v57;
	_ =	sdelay $0x1  }
0xce: {  	v61 =	vmul.f32 v58, v58;
	v14 =	vadd.f32 v60, v59;
	_ =	sdelay $0x1  }
0xcf: {  	v14 =	vadd.f32 v61, v14;
	_ =	sdelay $0x1  }
0xd0: {  	v15 =	vshra.s32 v14, $0x1;
	v62 =	vmul.f32 $5.000000000e-01, v14  }
0xd1: {  	v15 =	vsub.s32 $0x5F3759DF, v15  }
0xd2: {  	v63 =	vmul.f32 v15, v62;
	_ =	sdelay $0x1  }
0xd3: {  	v17 =	vmul.f32 v15, v63;
	_ =	sdelay $0x1  }
0xd4: {  	v17 =	vsub.f32 $1.500000000e+00, v17;
	_ =	sdelay $0x1  }
0xd5: {  	v15 =	vmul.f32 v15, v17;
	_ =	sdelay $0x1  }
0xd6: {  	v17 =	vmul.f32 v15, v62;
	_ =	sdelay $0x1  }
0xd7: {  	v17 =	vmul.f32 v17, v15;
	_ =	sdelay $0x1  }
0xd8: {  	v17 =	vsub.f32 $1.500000000e+00, v17;
	_ =	sdelay $0x1  }
0xd9: {  	v15 =	vmul.f32 v17, v15;
	_ =	sdelay $0x1  }
0xda: {  	v16 =	vmul.f32 v15, v62;
	_ =	sdelay $0x1  }
0xdb: {  	v16 =	vmul.f32 v16, v15;
	_ =	sdelay $0x1  }
0xdc: {  	v16 =	vsub.f32 $1.500000000e+00, v16;
	_ =	sdelay $0x1  }
0xdd: {  	v15 =	vmul.f32 v16, v15  }
0xde: {  	[tilespmem:v7+s14+$0x0] =	vst.idx.msk $0xffff, v11  }
0xdf: {  	s16 =	sadd.s32 $0x1, s16;
	[tilespmem:v8+s14+$0x0] =	vst.idx.msk $0xffff, v57;
	v11 =	vmul.f32 v15, v14  }
0xe0: {  	s17 =	sshrl.u32 s17, $0x1;
	p0 =	sne.s32 s16, $0x32;
	[tilespmem:v9+s14+$0x0] =	vst.idx.msk $0xffff, v58  }
.Ltmp2:
0xe1: {  	s17 =	sadd.s32 s4, s17;
	[tilespmem:v10+s14+$0x0] =	vst.idx.msk $0xffff, v11;
	(pc) =	sbr.rel @p0 .LBB2_2-.Ltmp2, $4  }
0xe2: {  	[hbm4b:s17+s5] =	stream.linear.scatter [tilespmem:s14], [sflag:$0x2], $0x1F40, $0x38;
	[tilespmem:$0x8D80] =	vst v63  }
0xe3: {  	_ =	swait.ge [sflag:s8], $0x1F40  }
0xe4: {  	[sflag:s8] =	ssyncset.done $0x0  }
0xe5: {  	[sflag:s8] =	ssyncadd.s32 $0xFFFFE0C0  }
0xe6: {  	s15 =	sadd.s32 $0x1, s15  }
0xe7: {  	p0 =	sne.s32 s15, s7  }
.Ltmp3:
0xe8: {  	_ = 	snop;
	(pc) =	sbr.rel @p0 .LBB2_1-.Ltmp3, $1  }
0xe9: {  	_ =	sdelay $0x3  }
0xea: {  	_ =	sfence.sel $0x180000  }
0xeb: {  	[bflag:$0x0] =	sbarrier.arrive $0xFFFF  }
0xec: {  	p0 =	sne.s32 s2, $0x0;
	_ =	strace $0x90000047  }
0xed: {  	s0 =	sadd.s32 @!p0 $0x100000, s0;
	[bflag:$0x2] =	sbarrier.arrive $0xFFFF  }
0xee: {  	[sflag:s0] =	ssyncadd.tile.s32 @!p0 $0x1;
	_ =	shalt  }
.Lfunc_end2:
_tile_overlayer_lowered:
.L_overlay_start_2:
0xef: {  	(tag) =	ssettag $0x2  }
0xf0: {  	s0 =	rddreg [dreg:$0x0];
	s2 =	stileid.u32  }
0xf1: {  	s1 =	rddreg [dreg:$0x1];
	p0 =	sne.s32 s2, $0x0  }
0xf2: {  	s3 =	rddreg [dreg:$0x2];
	[bflag:$0x3] =	sbarrier.arrive $0xFFFF;
	s2 =	simm.s32 @!p0 $0x1C02  }
0xf3: {  	[timem:s3], [sflag:s2] =	dma.local @!p0 [hbm:s0], s1  }
0xf4: {  	s0 =	simm.s32 @!p0 $0x2  }
0xf5: {  	_ =	swait.ge @!p0 [sflag:s0], s1  }
0xf6: {  	s1 =	ssub.s32 @!p0 $0x0, s1;
	[sflag:s0] =	ssyncset.done @!p0 $0x0  }
0xf7: {  	[sflag:s0] =	ssyncadd.s32 @!p0 s1  }
0xf8: {  	[bflag:$0x3] =	sbarrier.arrive $0xFFFF  }
0xf9: {  	_ =	shalt  }

// kernel: sparse-core-data-format-call.cloned.1.call-start
scs
called_computation_lowered:
.L_overlay_start_0:
0x0: {  	s2 =	sld [smem:$0x3FD9]  }
0x1: {  	s3 =	sld [smem:$0x3FFE];
	_ =	sdelay $0x1  }
0x2: {  	s1 =	srdreg.scid  }
0x3: {  	s0 =	sand.u32 $0x1, s1  }
0x4: {  	s15 =	sshll.u32 s0, $0xA;
	s2 =	sadd.s32 s3, s2  }
0x5: {  	s2 =	sadd.s32 s2, s15  }
0x6: {  	[smem:$0x3FC6] =	sst s2  }
0x7: {  	_ = 	snop  }
0x8: {  	s2 =	sld [smem:$0x3FD0];
	_ =	sdelay $0x2  }
0x9: {  	s16 =	simm.s32 $0xA;
	s4 =	simm.s32 $0x10  }
0xa: {  	[smem:s4], [sflag:s16] =	dma.local [hbm:s2], $0x1  }
0xb: {  	_ =	swait.eq [sflag:s16], $0x1  }
0xc: {  	[sflag:s16] =	ssyncset.done $0x0  }
0xd: {  	[sflag:s16] =	ssyncadd.s32 $0xFFFFFFFF  }
0xe: {  	s17 =	sld [smem:$0x12];
	(tm) =	ssettm $0x1  }
0xf: {  	s18 =	sld [smem:$0x3FFB];
	_ =	sdelay $0x3  }
0x10: {  	_ =	strace s18  }
0x11: {  	s3 =	sld [smem:$0x3FFC];
	_ =	sdelay $0x3  }
0x12: {  	_ =	strace s3  }
0x13: {  	s3 =	sld [smem:$0x3FFD];
	_ =	sdelay $0x3  }
0x14: {  	_ =	strace s3  }
0x15: {  	_ =	strace $0x8FFFFFFF  }
0x16: {  	s19 =	sld [smem:$0x3FDB];
	_ =	sdelay $0x1  }
0x17: {  	s20 =	simm.s32 $_scs_section_size  }
0x18: {  	s5 =	simm.s32 $_size__tile_overlayer_lowered;
	s6 =	simm.s32 $_tile_overlayer_lowered  }
0x19: {  	s23 =	simm.s32 $0x1BFF;
	s22 =	sshll.u32 s6, $0x1;
	s3 =	sadd.s32 s20, s19  }
0x1a: {  	s7 =	simm.s32 $0x0;
	s21 =	sshll.u32 s5, $0x1;
	s5 =	sadd.s32 s22, s3  }
0x1b: {  	[timem:s7], [sflag:s23] =	dma.local [hbm:s5], s21  }
0x1c: {  	_ =	swait.ge [sflag:s23], s21  }
0x1d: {  	s4 =	ssub.s32 $0x0, s21;
	[sflag:s23] =	ssyncset.done $0x0  }
0x1e: {  	[sflag:s23] =	ssyncadd.s32 s4;
	_ =	sdelay $0x1  }
0x1f: {  	s24 =	simm.s32 $0x1B8B  }
0x20: {  	_ =	swait.ge [sflag:s24], $0x1  }
0x21: {  	[sflag:s24] =	ssyncset.done $0x0  }
0x22: {  	s26 =	simm.s32 $0x1B8E;
	s25 =	sld [smem:$0x3FFE];
	[sflag:s24] =	ssyncadd.s32 $0xFFFFFFFF  }
0x23: {  	s27 =	simm.s32 $execute0_lowered;
	[smem:$0x3FD2] =	sst s26  }
0x24: {  	s5 =	sshll.u32 s27, $0x1;
	_ =	strace $0x80000049;
	[dreg:$0x1] =	wrdreg $0xFFFFFFFF  }
0x25: {  	s28 =	simm.s32 $_size_execute0_lowered;
	s3 =	sadd.s32 s3, s5;
	[dreg:$0x0] =	wrdreg $0x0  }
0x26: {  	s5 =	sshll.u32 s28, $0x1;
	[dreg:$0x2] =	wrdreg s3  }
0x27: {  	[dreg:$0x3] =	wrdreg s5  }
0x28: {  	[dreg:$0x4] =	wrdreg $0xC0  }
0x29: {  	_ =	task [dreg:s7], $0x5FFFF  }
0x2a: {  	[dreg:$0x1] =	wrdreg $0xFFFFFFFF  }
0x2b: {  	[dreg:$0x0] =	wrdreg $0x60  }
0x2c: {  	[dreg:$0x2] =	wrdreg s25  }
0x2d: {  	[dreg:$0x3] =	wrdreg s17  }
0x2e: {  	[dreg:$0x4] =	wrdreg $0x9  }
0x2f: {  	_ =	task.clear_ibuf [dreg:s7], $0x5FFFF;
	_ =	strace $0x90000049  }
0x30: {  	s29 =	simm.s32 $0x9;
	_ =	strace $0x8000004B  }
0x31: {  	_ =	swait.ge [sflag:s29], $0x1  }
0x32: {  	[sflag:s29] =	ssyncadd.s32 $0xFFFFFFFF  }
0x33: {  	_ =	strace $0x9000004B  }
0x34: {  	_ =	sfence  }
0x35: {  	s30 =	sld [smem:$0x0];
	_ =	sdelay $0x2  }
0x36: {  	s31 =	sshll.u32 s1, $0xD;
	s1 =	sshrl.u32 s1, $0x2  }
0x37: {  	s3 =	sand.u32 $0x4000, s31;
	s1 =	sadd.s32 s1, s30  }
0x38: {  	s0 =	sor.u32 s3, s0;
	s1 =	sshll.u32 s1, $0x11  }
0x39: {  	s0 =	sor.u32 s1, s0  }
0x3a: {  	s0 =	sadd.s32 $0x8F2B, s0  }
0x3b: {  	[sflag:s0] =	ssyncadd.remote.s32 $0x1  }
0x3c: {  	_ =	sfence.sel $0xFFFF  }
0x3d: {  	[dreg:$0x0] =	wrdreg $0xFFFFFFFF;
	(pc) =	sbr.abs _section_cstart, $3  }
0x3e: {  	[dreg:$0x1] =	wrdreg $0xFFFFFFFF  }
0x3f: {  	_ =	task.clear_ibuf [dreg:s7], $0x2FFFF;
	_ =	strace $0x9FFFFFFF  }
0x40: {  	(tm) =	ssettm $0x7FFFFFFF  }
0x41: {  	_ =	shalt  }
tec
execute0_lowered:
.L_overlay_start_1:
0x0: {  	(tag) =	ssettag $0x1  }
0x1: {  	s0 =	srdreg.scid  }
0x2: {  	s5 =	rddreg [dreg:$0x0];
	s1 =	sshll.u32 s0, $0x4  }
0x3: {  	s2 =	rddreg [dreg:$0x1];
	s0 =	stileid.u32;
	s1 =	sand.u32 $0x10, s1  }
0x4: {  	s4 =	simm.s32 $0x1;
	s8 =	simm.s32 $0x2;
	s1 =	sor.u32 s0, s1  }
0x5: {  	s12 =	simm.s32 $0x0;
	s9 =	simm.s32 $0x0;
	s3 =	sshll.u32 s1, $0x7  }
0x6: {  	s11 =	simm.s32 $0x0;
	s5 =	sadd.s32 $0x2600, s5;
	s6 =	ssub.s32 $0x30D400, s3  }
.Ltmp0:
0x7: {  	s1 =	rddreg [dreg:$0x2];
	s7 =	sand.u32 $0xF80, s6;
	(pc) =	sbr.rel .LBB1_1-.Ltmp0, $4  }
0x8: {  	_ =	strace $0x8000004A;
	p0 =	sne.s32 s7, $0x0;
	s7 =	simm.s32 $0x1  }
0x9: {  	[sflag:s4] =	ssyncpa.u1 $0x0;
	s6 =	sshrl.u32 s6, $0xC;
	s7 =	simm.s32 @!p0 $0x0  }
0xa: {  	s10 =	smov.u32 s3;
	[sflag:s8] =	ssyncpa.u1 $0x0;
	s6 =	sadd.s32 s7, s6  }
0xb: {  	s8 =	simm.s32 $0xC35000;
	p0 =	por $0x0, $0x0;
	s7 =	sadd.s32 $0x1, s6  }
.LBB1_4:
0xc: {  	s15 =	sshll.u32 s9, $0x2  }
0xd: {  	p1 =	sgt.s32 s9, $0x30D380;
	s16 =	sshrl.u32 s15, $0xA  }
0xe: {  	s17 =	smov.u32 s9;
	s18 =	sshra.s32 s9, $0x1F;
	s16 =	smulhi.u32 $0x53E2D7, s16  }
0xf: {  	s19 =	sand.u32 $0x7F, s9;
	s17 =	simm.s32 @!p1 $0x30D380;
	s18 =	sand.u32 s18, s9  }
0x10: {  	s15 =	sand.u32 $0xFFFFFE00, s15;
	s17 =	ssub.s32 s17, s18;
	s16 =	sshrl.u32 s16, $0x2  }
0x11: {  	s17 =	sadd.s32 $0xFFCF2C80, s17;
	s26 =	smul.u32 $0x30D400, s16  }
0x12: {  	s15 =	sor.u32 s19, s15;
	s27 =	sshll.u32 s17, $0x4;
	s16 =	sand.u32 $0x3, s16  }
0x13: {  	s28 =	ssub.s32 $0x800, s27;
	s16 =	smul.u32 $0x61A80, s16;
	s15 =	ssub.s32 s15, s26  }
0x14: {  	p1 =	sgt.s32 s17, $0x7F;
	s17 =	sshrl.u32 s28, $0x2;
	s29 =	sand.u32 $0x7, s15  }
0x15: {  	s15 =	sshrl.u32 s15, $0x3;
	s16 =	sadd.s32 s2, s16;
	s18 =	sshll.u32 s29, $0x12  }
0x16: {  	[tilespmem:s14+$0x0 ss:$0x81] =	vst.msk $0xffff, v0;
	s17 =	simm.s32 @p1 $0x0;
	s30 =	sadd.s32 s15, s16;
	s31 =	sor.u32 $0x200, s18  }
0x17: {  	[hbm4b:s30+s31] =	stream.strided.scatter [tilespmem:s13], [sflag:$0x2], s17, s8, s31, $0x20;
	[tilespmem:$0x4040] =	vst v63  }
.LBB1_5:
0x18: {  	p1 =	slt.u32 s11, $0x2  }
0x19: {  	p2 =	sgt.s32 @!p1 s12, $0x30D380  }
0x1a: {  	s13 =	smov.u32 s12;
	s14 =	sshra.s32 @!p1 s12, $0x1F;
	p2 =	por !p2, p1  }
0x1b: {  	s12 =	sand.u32 @!p1 s14, s12;
	s13 =	simm.s32 @p2 $0x30D380  }
0x1c: {  	s12 =	ssub.s32 @!p1 s13, s12  }
0x1d: {  	s12 =	sadd.s32 @!p1 $0xFFCF2C80, s12  }
0x1e: {  	s13 =	sshll.u32 @!p1 s12, $0x4  }
0x1f: {  	p2 =	sgt.s32 @!p1 s12, $0x7F;
	s12 =	ssub.s32 @!p1 $0x800, s13  }
0x20: {  	s14 =	sadd.s32 $0x1000, s10;
	p2 =	por !p2, p1;
	s12 =	sshrl.u32 @!p1 s12, $0x2  }
0x21: {  	s12 =	simm.s32 @!p2 $0x0;
	p2 =	sgt.s32 s14, $0x30D3FF  }
0x22: {  	s14 =	smov.u32 @p2 s3;
	p2 =	sne.s32 s11, s7  }
.Ltmp1:
0x23: {  	_ = 	snop;
	(pc) =	sbr.rel @!p2 .LBB1_6-.Ltmp1, $4  }
0x24: {  	s13 =	simm.s32 @!p1 $0x2  }
0x25: {  	p0 =	por !p0, !p0;
	_ =	swait.ge @!p1 [sflag:s13], s12;
	s15 =	ssub.s32 @!p1 $0x0, s12  }
0x26: {  	s12 =	smov.u32 s9;
	s11 =	sadd.s32 $0x1, s11;
	[sflag:s13] =	ssyncset.done @!p1 $0x0  }
0x27: {  	s9 =	smov.u32 s10;
	s10 =	smov.u32 s14;
	[sflag:s13] =	ssyncadd.s32 @!p1 s15  }
.LBB1_1:
0x28: {  	p1 =	sge.u32 s11, s6  }
0x29: {  	s13 =	sand.u32 @!p1 $0x1FFFFFF, s10  }
0x2a: {  	s14 =	smulhi.u32 @!p1 $0x14F8B59, s13;
	_ =	sdelay $0x1  }
0x2b: {  	s14 =	sshrl.u32 @!p1 s14, $0xE  }
0x2c: {  	s14 =	smul.u32 @!p1 $0x30D400, s14;
	_ =	sdelay $0x1  }
0x2d: {  	s31 =	sadd.s32 $0xFFFFFFFF, s11;
	s15 =	sxor.u32 @!p1 $0xFFFFFFFF, s11;
	s13 =	ssub.s32 @!p1 s13, s14  }
0x2e: {  	s16 =	simm.s32 @!p1 $0x80;
	s15 =	sshll.u32 @!p1 s15, $0xC;
	s13 =	sshll.u32 @!p1 s13, $0x4  }
0x2f: {  	s14 =	sand.u32 @!p1 $0x1000, s15;
	s15 =	simm.s32 @!p1 $0x20;
	s13 =	sadd.s32 @!p1 s5, s13  }
0x30: {  	[tilespmem:s14], [sflag:$0x1] =	stream.strided.gather @!p1 [hbm4b:s13+s15], $0x1000, s16, s15, $0x38;
	[tilespmem:$0x4040] =	vst v63  }
0x31: {  	p1 =	sge.u32 s31, s6  }
.Ltmp2:
0x32: {  	_ = 	snop;
	(pc) =	sbr.rel @p1 .LBB1_5-.Ltmp2, $1  }
0x33: {  	_ =	sdelay $0x3  }
0x34: {  	s13 =	simm.s32 $0x1  }
0x35: {  	_ =	swait.ge [sflag:s4], $0x1000;
	s13 =	simm.s32 @!p0 $0x0  }
0x36: {  	[sflag:s4] =	ssyncset.done $0x0;
	s14 =	sshll.u32 s13, $0xC  }
0x37: {  	[sflag:s4] =	ssyncadd.s32 $0xFFFFF000;
	s17 =	sor.u32 $0x10, s14  }
0x38: {  	s13 =	smul.u32 $0x4080, s13;
	v1 =	vld [tilespmem:s17+$0x0]  }
0x39: {  	s30 =	sand.u32 $0x1, s11;
	v0 =	vld [tilespmem:s17+$0xFFFFFFF0]  }
0x3a: {  	s14 =	smul.u32 $0x4080, s30;
	s13 =	sshrl.u32 s13, $0x2  }
0x3b: {  	s15 =	sor.u32 $0x2000, s13  }
0x3c: {  	s31 =	sshrl.u32 s14, $0x2;
	s14 =	sadd.s32 $0x0, s15  }
0x3d: {  	s16 =	simm.s32 $0x4;
	s17 =	sadd.s32 $0x20, s17;
	s13 =	sor.u32 $0x2000, s31;
	[tilespmem:s14+$0x810 ss:$0x81] =	vst.msk $0xffff, v1  }
.LBB1_3:
0x3e: {  	v1 =	vld [tilespmem:s17+$0x0];
	p1 =	sne.s32 s16, $0x1FC;
	[tilespmem:s14+$0x0 ss:$0x81] =	vst.msk $0xffff, v0;
	s14 =	smov.u32 s16;
	s16 =	sadd.s32 $0x4, s16  }
.Ltmp3:
0x3f: {  	v0 =	vld [tilespmem:s17+$0xFFFFFFF0];
	(pc) =	sbr.rel @p1 .LBB1_3-.Ltmp3, $4  }
0x40: {  	_ = 	snop  }
0x41: {  	s14 =	sshra.s32 s14, $0x2  }
0x42: {  	s14 =	sadd.s32 s14, s15  }
0x43: {  	s17 =	sadd.s32 $0x20, s17;
	[tilespmem:s14+$0x810 ss:$0x81] =	vst.msk $0xffff, v1  }
.Ltmp4:
0x44: {  	_ = 	snop;
	(pc) =	sbr.rel .LBB1_4-.Ltmp4, $1  }
0x45: {  	_ =	sdelay $0x3  }
.LBB1_6:
0x46: {  	_ =	sfence.sel $0x180000  }
0x47: {  	s2 =	simm.s32 $0x1;
	[bflag:$0x0] =	sbarrier.arrive $0xFFFF  }
0x48: {  	s31 =	simm.s32 $0x2;
	[sflag:s2] =	ssyncpa.u1 $0x1  }
0x49: {  	[sflag:s31] =	ssyncpa.u1 $0x1  }
0x4a: {  	p0 =	sne.s32 s0, $0x0;
	_ =	strace $0x9000004A  }
0x4b: {  	s0 =	sadd.s32 @!p0 $0x100000, s1;
	[bflag:$0x2] =	sbarrier.arrive $0xFFFF  }
0x4c: {  	[sflag:s0] =	ssyncadd.tile.s32 @!p0 $0x1;
	_ =	shalt  }
.Lfunc_end1:
_tile_overlayer_lowered:
.L_overlay_start_2:
0x4d: {  	(tag) =	ssettag $0x2  }
0x4e: {  	s0 =	rddreg [dreg:$0x0];
	s2 =	stileid.u32  }
0x4f: {  	s1 =	rddreg [dreg:$0x1];
	p0 =	sne.s32 s2, $0x0  }
0x50: {  	s3 =	rddreg [dreg:$0x2];
	[bflag:$0x3] =	sbarrier.arrive $0xFFFF;
	s2 =	simm.s32 @!p0 $0x1C01  }
0x51: {  	[timem:s3], [sflag:s2] =	dma.local @!p0 [hbm:s0], s1  }
0x52: {  	s0 =	simm.s32 @!p0 $0x1  }
0x53: {  	_ =	swait.ge @!p0 [sflag:s0], s1  }
0x54: {  	s1 =	ssub.s32 @!p0 $0x0, s1;
	[sflag:s0] =	ssyncset.done @!p0 $0x0  }
0x55: {  	[sflag:s0] =	ssyncadd.s32 @!p0 s1  }
0x56: {  	[bflag:$0x3] =	sbarrier.arrive $0xFFFF  }
0x57: {  	_ =	shalt  }

</sc_bundles>
